<compile_context>
chip_gen: v7x
topology: tpu7x:2x2x1
jax: 0.10.2.dev20260603
libtpu: 0.0.44.dev20260713+nightly
codegen_flags: <defaults>
</compile_context>

<pallas_src>
import jax
import jax.numpy as jnp
from jax import lax
from jax.experimental import pallas as pl
from jax.experimental.pallas import tpu as pltpu
from jax.experimental.pallas import tpu_sc as plsc

T = 2048
H = 1024
E = 64
FF = 704
CAP = 40
THRESH = 0.2
DUMP = E * CAP
EB = E + 1
TBLK = 128
TPW = 64
CHK = 32


def _router_kernel(x_ref, wr_ref, slot_ref, xmul_ref, ymul_ref,
                   counts_ref, vcounts_ref, vflag_ref, nflag_ref, sched_ref):
    i = pl.program_id(0)
    x = x_ref[...]
    logits = jnp.dot(x, wr_ref[...], preferred_element_type=jnp.float32)
    m = jnp.max(logits, axis=1, keepdims=True)
    s = jnp.sum(jnp.exp(logits - m), axis=1, keepdims=True)
    topval = 1.0 / s
    e_iota = lax.broadcasted_iota(jnp.int32, (TBLK, E), 1)
    idx = jnp.min(jnp.where(logits == m, e_iota, E), axis=1, keepdims=True)
    oh = (e_iota == idx).astype(jnp.float32)

    @pl.when(i == 0)
    def _():
        counts_ref[...] = jnp.zeros((1, 1, E), jnp.int32)
        vcounts_ref[...] = jnp.zeros((1, 1, E), jnp.int32)

    carry = counts_ref[...].reshape(1, E).astype(jnp.float32)
    r_io = lax.broadcasted_iota(jnp.int32, (TBLK, TBLK), 0)
    c_io = lax.broadcasted_iota(jnp.int32, (TBLK, TBLK), 1)
    lstrict = (r_io > c_io).astype(jnp.float32)
    pref = jnp.dot(lstrict, oh, preferred_element_type=jnp.float32)
    pos = jnp.sum((pref + carry) * oh, axis=1, keepdims=True).astype(jnp.int32)
    counts_ref[...] = (carry + jnp.sum(oh, axis=0, keepdims=True)).astype(
        jnp.int32).reshape(1, 1, E)
    skip = topval < THRESH
    valid = jnp.logical_and(pos < CAP, jnp.logical_not(skip))
    slot_ref[...] = jnp.where(valid, idx * CAP + pos, DUMP)
    xmul_ref[...] = jnp.where(skip, 1.0, 0.0)
    ymul_ref[...] = jnp.where(valid, topval, 0.0)
    s_row = lax.broadcasted_iota(jnp.int32, (2, TBLK), 0)
    s_col = lax.broadcasted_iota(jnp.int32, (2, TBLK), 1)
    sel = ((s_col // TPW) == s_row).astype(jnp.float32)
    valid_f = valid.astype(jnp.float32)
    nskip_f = 1.0 - jnp.where(skip, 1.0, 0.0)
    vf = jnp.dot(sel, valid_f,
                 preferred_element_type=jnp.float32).astype(jnp.int32)
    nf = jnp.dot(sel, nskip_f,
                 preferred_element_type=jnp.float32).astype(jnp.int32)
    vflag_ref[...] = jnp.broadcast_to(vf, (2, 16)).reshape(1, 2, 16)
    nflag_ref[...] = jnp.broadcast_to(nf, (2, 16)).reshape(1, 2, 16)
    voh = oh * valid.astype(jnp.float32)
    vcounts_new = (vcounts_ref[...].reshape(1, E).astype(jnp.float32)
                   + jnp.sum(voh, axis=0, keepdims=True))
    vcounts_ref[...] = vcounts_new.astype(jnp.int32).reshape(1, 1, E)

    @pl.when(i == T // TBLK - 1)
    def _():
        af = vcounts_new > 0.0
        e_row = lax.broadcasted_iota(jnp.int32, (1, E), 1)
        last_active = jnp.max(jnp.where(af, e_row, 0), axis=1, keepdims=True)
        i_col = lax.broadcasted_iota(jnp.int32, (TBLK, E), 0)
        e_mat = lax.broadcasted_iota(jnp.int32, (TBLK, E), 1)
        af_b = jnp.broadcast_to(af, (TBLK, E))
        cand = jnp.where(jnp.logical_and(e_mat >= i_col, af_b), e_mat, E)
        wcol = jnp.min(cand, axis=1, keepdims=True)
        wcol = jnp.where(wcol == E, last_active, wcol)
        acol = jnp.sum(jnp.where(e_mat == i_col, af_b.astype(jnp.int32), 0),
                       axis=1, keepdims=True)
        sched_ref[...] = jnp.concatenate([wcol, acol], axis=1)


def _mlp1_kernel(xb_ref, wg_ref, wu_ref, wd_ref, ye_ref):
    xb = xb_ref[...]
    g = jnp.dot(xb, wg_ref[...], preferred_element_type=jnp.float32)
    u = jnp.dot(xb, wu_ref[...], preferred_element_type=jnp.float32)
    h = g * jax.nn.sigmoid(g) * u
    ye_ref[...] = jnp.dot(h, wd_ref[...], preferred_element_type=jnp.float32)


def _my_flag(flag_hbm, flag_v, wid):
    pltpu.sync_copy(flag_hbm.at[pl.ds(wid * 16, 16)], flag_v)
    v = flag_v[...]
    return v[0] > 0


def _sc_scatter(x_hbm, slot_hbm, vflag_hbm, buf_hbm, idx_v, flag_v, x_v, sem):
    nc = 2
    wid = lax.axis_index("s") * nc + lax.axis_index("c")
    myflag = _my_flag(vflag_hbm, flag_v, wid)

    @pl.when(myflag)
    def _():
        base = wid * TPW
        pltpu.sync_copy(slot_hbm.at[pl.ds(base, TPW)], idx_v)
        pltpu.sync_copy(x_hbm.at[pl.ds(base, TPW)], x_v)
        pltpu.async_copy(x_v, buf_hbm.at[idx_v], sem).wait()


def _dyn_pick(vec16, lanevec):
    dn = lax.GatherDimensionNumbers(
        offset_dims=(), collapsed_slice_dims=(0,), start_index_map=(0,))
    return lax.gather(vec16, lanevec[:, None], dn, (1,),
                      mode=lax.GatherScatterMode.PROMISE_IN_BOUNDS)


def _sc_gather(x_hbm, slot_hbm, xmul_hbm, ymul_hbm, nflag_hbm, ye_hbm,
               out_hbm, idx_v, flag_v, xm_v, gm_v, x_v, y_v, sem):
    nc = 2
    wid = lax.axis_index("s") * nc + lax.axis_index("c")
    myflag = _my_flag(nflag_hbm, flag_v, wid)

    @pl.when(jnp.logical_not(myflag))
    def _():
        b0 = wid * TPW
        ld0 = pltpu.async_copy(x_hbm.at[pl.ds(b0, CHK)], x_v, sem)
        ld1 = pltpu.async_copy(x_hbm.at[pl.ds(b0 + CHK, CHK)], y_v, sem)
        ld0.wait()
        ld1.wait()
        st0 = pltpu.async_copy(x_v, out_hbm.at[pl.ds(b0, CHK)], sem)
        st1 = pltpu.async_copy(y_v, out_hbm.at[pl.ds(b0 + CHK, CHK)], sem)
        st0.wait()
        st1.wait()

    def chunk_body(c, carry):
        base = wid * TPW + c * CHK
        pltpu.sync_copy(slot_hbm.at[pl.ds(base, CHK)], idx_v)
        pltpu.sync_copy(xmul_hbm.at[pl.ds(base, CHK)], xm_v)
        pltpu.sync_copy(ymul_hbm.at[pl.ds(base, CHK)], gm_v)
        pltpu.sync_copy(x_hbm.at[pl.ds(base, CHK)], x_v)
        pltpu.async_copy(ye_hbm.at[idx_v], y_v, sem).wait()

        def half_body(h2, carry2):
            xm16 = xm_v[pl.ds(h2 * 16, 16)]
            gm16 = gm_v[pl.ds(h2 * 16, 16)]

            def row_body(lane, carry3):
                lanevec = jnp.full((16,), lane, dtype=jnp.int32)
                xm = _dyn_pick(xm16, lanevec)
                gm = _dyn_pick(gm16, lanevec)
                r = h2 * 16 + lane

                def grp_body(j, carry4):
                    xs = x_v[r, pl.ds(j * 16, 16)]
                    ys = y_v[r, pl.ds(j * 16, 16)]
                    x_v[r, pl.ds(j * 16, 16)] = xm * xs + gm * ys
                    return carry4

                return lax.fori_loop(0, H // 16, grp_body, carry3)

            return lax.fori_loop(0, 16, row_body, carry2)

        lax.fori_loop(0, CHK // 16, half_body, 0)
        pltpu.sync_copy(x_v, out_hbm.at[pl.ds(base, CHK)])
        return carry

    @pl.when(myflag)
    def _():
        lax.fori_loop(0, TPW // CHK, chunk_body, 0)


def kernel(hidden_states, Wr, Wg, Wu, Wd):
    x2 = hidden_states.reshape(T, H)

    (slot2, xmul2, ymul2, _counts3, _vcounts3,
     vflag3, nflag3, sched) = pl.pallas_call(
        _router_kernel,
        grid=(T // TBLK,),
        in_specs=[
            pl.BlockSpec((TBLK, H), lambda i: (i, 0)),
            pl.BlockSpec((H, E), lambda i: (0, 0)),
        ],
        out_specs=[
            pl.BlockSpec((TBLK, 1), lambda i: (i, 0)),
            pl.BlockSpec((TBLK, 1), lambda i: (i, 0)),
            pl.BlockSpec((TBLK, 1), lambda i: (i, 0)),
            pl.BlockSpec((1, 1, E), lambda i: (0, 0, 0)),
            pl.BlockSpec((1, 1, E), lambda i: (0, 0, 0)),
            pl.BlockSpec((1, 2, 16), lambda i: (i, 0, 0)),
            pl.BlockSpec((1, 2, 16), lambda i: (i, 0, 0)),
            pl.BlockSpec((TBLK, 2), lambda i: (0, 0)),
        ],
        out_shape=[
            jax.ShapeDtypeStruct((T, 1), jnp.int32),
            jax.ShapeDtypeStruct((T, 1), jnp.float32),
            jax.ShapeDtypeStruct((T, 1), jnp.float32),
            jax.ShapeDtypeStruct((1, 1, E), jnp.int32),
            jax.ShapeDtypeStruct((1, 1, E), jnp.int32),
            jax.ShapeDtypeStruct((T // TBLK, 2, 16), jnp.int32),
            jax.ShapeDtypeStruct((T // TBLK, 2, 16), jnp.int32),
            jax.ShapeDtypeStruct((TBLK, 2), jnp.int32),
        ],
    )(x2, Wr)
    slot1 = slot2.reshape(T)
    vflag1 = vflag3.reshape(16 * (T // TPW))
    nflag1 = nflag3.reshape(16 * (T // TPW))

    buf = pl.kernel(
        _sc_scatter,
        out_type=jax.ShapeDtypeStruct((DUMP + 1, H), jnp.float32),
        mesh=plsc.VectorSubcoreMesh(core_axis_name="c", subcore_axis_name="s"),
        scratch_types=[
            pltpu.VMEM((TPW,), jnp.int32),
            pltpu.VMEM((16,), jnp.int32),
            pltpu.VMEM((TPW, H), jnp.float32),
            pltpu.SemaphoreType.DMA,
        ],
    )(x2, slot1, vflag1)

    mlp1 = pl.pallas_call(
        _mlp1_kernel,
        out_shape=jax.ShapeDtypeStruct((CAP, H), jnp.float32),
    )
    na = jnp.sum(sched[:E, 1])
    ye0 = jnp.zeros((EB * CAP, H), jnp.float32)

    def _cond(c):
        return c[0] < na

    def _body(c):
        k, e, ye_c = c
        xb = lax.dynamic_slice(buf, (e * CAP, 0), (CAP, H))
        wg = lax.dynamic_slice(Wg, (e, 0, 0), (1, H, FF)).reshape(H, FF)
        wu = lax.dynamic_slice(Wu, (e, 0, 0), (1, H, FF)).reshape(H, FF)
        wd = lax.dynamic_slice(Wd, (e, 0, 0), (1, FF, H)).reshape(FF, H)
        yblk = mlp1(xb, wg, wu, wd)
        ye_c = lax.dynamic_update_slice(ye_c, yblk, (e * CAP, 0))
        return k + 1, sched[e + 1, 0], ye_c

    _, _, ye = lax.while_loop(_cond, _body, (jnp.int32(0), sched[0, 0], ye0))

    out = pl.kernel(
        _sc_gather,
        out_type=jax.ShapeDtypeStruct((T, H), jnp.float32),
        mesh=plsc.VectorSubcoreMesh(core_axis_name="c", subcore_axis_name="s"),
        scratch_types=[
            pltpu.VMEM((CHK,), jnp.int32),
            pltpu.VMEM((16,), jnp.int32),
            pltpu.VMEM((CHK,), jnp.float32),
            pltpu.VMEM((CHK,), jnp.float32),
            pltpu.VMEM((CHK, H), jnp.float32),
            pltpu.VMEM((CHK, H), jnp.float32),
            pltpu.SemaphoreType.DMA,
        ],
    )(x2, slot1, xmul2.reshape(T), ymul2.reshape(T), nflag1, ye)

    return out.reshape(hidden_states.shape)

# --- scband reference (transcript-rebuilt; emitter-appended) ---
"""Pipeline reference for scband-skip-layer-moe-29635274342468 (READ-ONLY COPY).

The authoritative reference and input builder live on the scoring server;
editing this copy changes nothing except your own understanding.
"""

import jax, jax.numpy as jnp
import numpy as np

B, S, HIDDEN = 1, 2048, 1024
E, TOPK, FF = 64, 1, 704
THRESH = 0.2
T = B * S
CAP = int(T * TOPK / E * 1.25)  # 40


def setup_inputs(seed: int = 0) -> dict:
    key = jax.random.key(seed)
    ks = jax.random.split(key, 5)
    hidden_states = jax.random.normal(ks[0], (B, S, HIDDEN), dtype=jnp.float32)
    Wr = jax.random.normal(ks[1], (HIDDEN, E), dtype=jnp.float32) * 0.02
    Wg = jax.random.normal(ks[2], (E, HIDDEN, FF), dtype=jnp.float32) * 0.02
    Wu = jax.random.normal(ks[3], (E, HIDDEN, FF), dtype=jnp.float32) * 0.02
    Wd = jax.random.normal(ks[4], (E, FF, HIDDEN), dtype=jnp.float32) * 0.02
    return {"hidden_states": hidden_states, "Wr": Wr, "Wg": Wg, "Wu": Wu, "Wd": Wd}


def _moe_forward(x3, Wr, Wg, Wu, Wd):
    b, s, d = x3.shape
    t = b * s
    x = x3.reshape(t, d)
    # SkipRouter: softmax router with skip-if-low-confidence
    logits = x @ Wr                                  # [T, E]
    probs = jax.nn.softmax(logits, axis=-1)
    top_vals, top_idx = jax.lax.top_k(probs, TOPK)   # [T, k]
    skip = top_vals[:, 0] < THRESH                   # [T] tokens that skip the MoE layer
    gate = jnp.where(skip[:, None], 0.0, top_vals)   # [T, k]
    flat_e = top_idx.reshape(-1)                     # [T*k] token-major
    flat_gate = gate.reshape(-1)                     # [T*k]
    x_rep = jnp.repeat(x, TOPK, axis=0)              # [T*k, d] matches token-major order
    skip_rep = jnp.repeat(skip, TOPK)                # [T*k]
    # position within expert buffer via cumulative one-hot
    oh = jax.nn.one_hot(flat_e, E, dtype=jnp.int32)  # [T*k, E]
    pos = jnp.sum((jnp.cumsum(oh, axis=0) - 1) * oh, axis=1)  # [T*k]
    valid = (pos < CAP) & (~skip_rep)
    slot = jnp.where(valid, flat_e * CAP + pos, E * CAP)       # overflow/skip -> dump slot
    # scatter tokens into per-expert buffers (SparseCore scatter)
    buf = jnp.zeros((E * CAP + 1, d), dtype=x.dtype).at[slot].set(
        jnp.where(valid[:, None], x_rep, 0.0))
    xe = buf[:E * CAP].reshape(E, CAP, d)
    # DeepseekMLP (gated SiLU) per expert
    g = jnp.einsum('ecd,edf->ecf', xe, Wg)
    u = jnp.einsum('ecd,edf->ecf', xe, Wu)
    h = jax.nn.silu(g) * u
    ye = jnp.einsum('ecf,efd->ecd', h, Wd).reshape(E * CAP, d)
    ye = jnp.concatenate([ye, jnp.zeros((1, d), dtype=ye.dtype)], axis=0)
    # gather results back (SparseCore gather) and combine with gates
    y = ye[slot] * flat_gate[:, None]                # [T*k, d]
    y = y.reshape(t, TOPK, d).sum(axis=1)            # [T, d]
    # skipped tokens pass through unchanged (skip-layer behavior)
    out = jnp.where(skip[:, None], x, y)
    return out.reshape(b, s, d)


def reference(hidden_states, Wr, Wg, Wu, Wd):
    return _moe_forward(hidden_states, Wr, Wg, Wu, Wd)

if __name__ == "__main__":
    import jax
    _d = setup_inputs()
    print(jax.jit(kernel)(*tuple(_d.values())))

</pallas_src>

<mosaic_0001>
#map = affine_map<(d0, d1) -> (0, 0)>
#map1 = affine_map<(d0, d1) -> (0)>
module attributes {stable_mosaic.version = 14 : i64} {
  func.func @_sc_scatter(%arg0: i32, %arg1: i32, %arg2: memref<2048x1024xf32, #tpu.memory_space<hbm>>, %arg3: memref<2048xi32, #tpu.memory_space<hbm>>, %arg4: memref<512xi32, #tpu.memory_space<hbm>>, %arg5: memref<2561x1024xf32, #tpu.memory_space<hbm>>, %arg6: memref<64xi32, #tpu.memory_space<vmem>>, %arg7: memref<16xi32, #tpu.memory_space<vmem>>, %arg8: memref<64x1024xf32, #tpu.memory_space<vmem>>, %arg9: memref<!tpu.dma_semaphore, #tpu.memory_space<semaphore_mem>>) attributes {dimension_semantics = [#tpu.dimension_semantics<core_parallel>, #tpu.dimension_semantics<subcore_parallel>], iteration_bounds = array<i64: 2, 16>, scalar_prefetch = 0 : i64, scratch_operands = 4 : i64, tpu.core_type = #tpu.core_type<sc_vector_subcore>, window_params = [{transform_indices = #map}, {transform_indices = #map1}, {transform_indices = #map1}, {transform_indices = #map}]} {
    %mul3A = arith.constant 2 : i32
    %mul3A_0 = arith.muli %arg1, %mul3A : i32
    %add3A = arith.addi %mul3A_0, %arg0 : i32
    %mul3A_1 = arith.constant 16 : i32
    %mul3A_2 = arith.muli %add3A, %mul3A_1 : i32
    "tpu.region"() ({
      %run_scoped3A = tpu.sem_alloc : memref<!tpu.dma_semaphore, #tpu.memory_space<semaphore_mem>>
      %dma_start3A = tpu.memref_slice %arg4[%mul3A_2] : memref<512xi32, #tpu.memory_space<hbm>> -> memref<16xi32, #tpu.memory_space<hbm>>
      %dma_start3A_7 = tpu.memref_slice %arg4[%mul3A_2] : memref<512xi32, #tpu.memory_space<hbm>> -> memref<16xi32, #tpu.memory_space<hbm>>
      tpu.enqueue_dma source(%dma_start3A_7 : memref<16xi32, #tpu.memory_space<hbm>>) target(%arg7 : memref<16xi32, #tpu.memory_space<vmem>>) target_semaphore(%run_scoped3A : memref<!tpu.dma_semaphore, #tpu.memory_space<semaphore_mem>>)
      %dma_wait3A = tpu.memref_slice %arg4[%mul3A_2] : memref<512xi32, #tpu.memory_space<hbm>> -> memref<16xi32, #tpu.memory_space<hbm>>
      %dma_wait3A_8 = tpu.memref_slice %arg4[%mul3A_2] : memref<512xi32, #tpu.memory_space<hbm>> -> memref<16xi32, #tpu.memory_space<hbm>>
      tpu.wait_dma2 semaphore(%run_scoped3A : memref<!tpu.dma_semaphore, #tpu.memory_space<semaphore_mem>>) src(%dma_wait3A_8 : memref<16xi32, #tpu.memory_space<hbm>>) dst(%arg7 : memref<16xi32, #tpu.memory_space<vmem>>)
      tpu.yield
    }) : () -> ()
    %get3A = arith.constant 0 : index
    %get3A_3 = tpu.vector_load %arg7[%get3A] {strides = array<i32>} : memref<16xi32, #tpu.memory_space<vmem>>, vector<16xi32>,
    %get3A_4 = vector.shape_cast %get3A_3 : vector<16xi32> to vector<16xi32>
    %slice3A = vector.extract_strided_slice %get3A_4 {offsets = [0], sizes = [1], strides = [1]} : vector<16xi32> to vector<1xi32>
    %squeeze3A = vector.extract %slice3A[0] : i32 from vector<1xi32>
    %gt3A = arith.constant 0 : i32
    %gt3A_5 = arith.cmpi sgt, %squeeze3A, %gt3A : i32
    %convert_element_type3A = arith.extui %gt3A_5 : i1 to i32
    %cond3A = arith.constant 0 : i32
    %cond3A_6 = arith.cmpi ne, %convert_element_type3A, %cond3A : i32
    scf.if %cond3A_6 {
      %mul3A_7 = arith.constant 64 : i32
      %mul3A_8 = arith.muli %add3A, %mul3A_7 : i32
      "tpu.region"() ({
        %run_scoped3A = tpu.sem_alloc : memref<!tpu.dma_semaphore, #tpu.memory_space<semaphore_mem>>
        %dma_start3A_13 = tpu.memref_slice %arg3[%mul3A_8] : memref<2048xi32, #tpu.memory_space<hbm>> -> memref<64xi32, #tpu.memory_space<hbm>>
        %dma_start3A_14 = tpu.memref_slice %arg3[%mul3A_8] : memref<2048xi32, #tpu.memory_space<hbm>> -> memref<64xi32, #tpu.memory_space<hbm>>
        tpu.enqueue_dma source(%dma_start3A_14 : memref<64xi32, #tpu.memory_space<hbm>>) target(%arg6 : memref<64xi32, #tpu.memory_space<vmem>>) target_semaphore(%run_scoped3A : memref<!tpu.dma_semaphore, #tpu.memory_space<semaphore_mem>>)
        %dma_wait3A_15 = tpu.memref_slice %arg3[%mul3A_8] : memref<2048xi32, #tpu.memory_space<hbm>> -> memref<64xi32, #tpu.memory_space<hbm>>
        %dma_wait3A_16 = tpu.memref_slice %arg3[%mul3A_8] : memref<2048xi32, #tpu.memory_space<hbm>> -> memref<64xi32, #tpu.memory_space<hbm>>
        tpu.wait_dma2 semaphore(%run_scoped3A : memref<!tpu.dma_semaphore, #tpu.memory_space<semaphore_mem>>) src(%dma_wait3A_16 : memref<64xi32, #tpu.memory_space<hbm>>) dst(%arg6 : memref<64xi32, #tpu.memory_space<vmem>>)
        tpu.yield
      }) : () -> ()
      "tpu.region"() ({
        %run_scoped3A = tpu.sem_alloc : memref<!tpu.dma_semaphore, #tpu.memory_space<semaphore_mem>>
        %dma_start3A_13 = arith.constant 0 : i32
        %dma_start3A_14 = tpu.memref_slice %arg2[%mul3A_8, %dma_start3A_13] : memref<2048x1024xf32, #tpu.memory_space<hbm>> -> memref<64x1024xf32, #tpu.memory_space<hbm>>
        %dma_start3A_15 = arith.constant 0 : i32
        %dma_start3A_16 = tpu.memref_slice %arg2[%mul3A_8, %dma_start3A_15] : memref<2048x1024xf32, #tpu.memory_space<hbm>> -> memref<64x1024xf32, #tpu.memory_space<hbm>>
        tpu.enqueue_dma source(%dma_start3A_16 : memref<64x1024xf32, #tpu.memory_space<hbm>>) target(%arg8 : memref<64x1024xf32, #tpu.memory_space<vmem>>) target_semaphore(%run_scoped3A : memref<!tpu.dma_semaphore, #tpu.memory_space<semaphore_mem>>)
        %dma_wait3A_17 = arith.constant 0 : i32
        %dma_wait3A_18 = tpu.memref_slice %arg2[%mul3A_8, %dma_wait3A_17] : memref<2048x1024xf32, #tpu.memory_space<hbm>> -> memref<64x1024xf32, #tpu.memory_space<hbm>>
        %dma_wait3A_19 = arith.constant 0 : i32
        %dma_wait3A_20 = tpu.memref_slice %arg2[%mul3A_8, %dma_wait3A_19] : memref<2048x1024xf32, #tpu.memory_space<hbm>> -> memref<64x1024xf32, #tpu.memory_space<hbm>>
        tpu.wait_dma2 semaphore(%run_scoped3A : memref<!tpu.dma_semaphore, #tpu.memory_space<semaphore_mem>>) src(%dma_wait3A_20 : memref<64x1024xf32, #tpu.memory_space<hbm>>) dst(%arg8 : memref<64x1024xf32, #tpu.memory_space<vmem>>)
        tpu.yield
      }) : () -> ()
      %dma_start3A = arith.constant 0 : i32
      %dma_start3A_9 = arith.constant 0 : i32
      %dma_start3A_10 = tpu.memref_slice %arg5[%dma_start3A, %dma_start3A_9] : memref<2561x1024xf32, #tpu.memory_space<hbm>> -> memref<2561x1024xf32, #tpu.memory_space<hbm>>
      tpu.enqueue_indirect_dma source(%arg8 : memref<64x1024xf32, #tpu.memory_space<vmem>>) target(%dma_start3A_10 : memref<2561x1024xf32, #tpu.memory_space<hbm>>) offsets(%arg6 : memref<64xi32, #tpu.memory_space<vmem>>) semaphore(%arg9 : memref<!tpu.dma_semaphore, #tpu.memory_space<semaphore_mem>>)
      %dma_wait3A = arith.constant 0 : i32
      %dma_wait3A_11 = arith.constant 0 : i32
      %dma_wait3A_12 = tpu.memref_slice %arg5[%dma_wait3A, %dma_wait3A_11] : memref<2561x1024xf32, #tpu.memory_space<hbm>> -> memref<2561x1024xf32, #tpu.memory_space<hbm>>
      tpu.wait_indirect_dma semaphore(%arg9 : memref<!tpu.dma_semaphore, #tpu.memory_space<semaphore_mem>>) src(%arg8 : memref<64x1024xf32, #tpu.memory_space<vmem>>) dst(%dma_wait3A_12 : memref<2561x1024xf32, #tpu.memory_space<hbm>>)
    } else {
    }
    return
  }
}

#map = affine_map<(d0, d1) -> (0, 0)>
#map1 = affine_map<(d0, d1) -> (0)>
module attributes {stable_mosaic.version = 14 : i64} {
  func.func @_sc_gather(%arg0: i32, %arg1: i32, %arg2: memref<2048x1024xf32, #tpu.memory_space<hbm>>, %arg3: memref<2048xi32, #tpu.memory_space<hbm>>, %arg4: memref<2048xf32, #tpu.memory_space<hbm>>, %arg5: memref<2048xf32, #tpu.memory_space<hbm>>, %arg6: memref<512xi32, #tpu.memory_space<hbm>>, %arg7: memref<2600x1024xf32, #tpu.memory_space<hbm>>, %arg8: memref<2048x1024xf32, #tpu.memory_space<hbm>>, %arg9: memref<32xi32, #tpu.memory_space<vmem>>, %arg10: memref<16xi32, #tpu.memory_space<vmem>>, %arg11: memref<32xf32, #tpu.memory_space<vmem>>, %arg12: memref<32xf32, #tpu.memory_space<vmem>>, %arg13: memref<32x1024xf32, #tpu.memory_space<vmem>>, %arg14: memref<32x1024xf32, #tpu.memory_space<vmem>>, %arg15: memref<!tpu.dma_semaphore, #tpu.memory_space<semaphore_mem>>) attributes {dimension_semantics = [#tpu.dimension_semantics<core_parallel>, #tpu.dimension_semantics<subcore_parallel>], iteration_bounds = array<i64: 2, 16>, scalar_prefetch = 0 : i64, scratch_operands = 7 : i64, tpu.core_type = #tpu.core_type<sc_vector_subcore>, window_params = [{transform_indices = #map}, {transform_indices = #map1}, {transform_indices = #map1}, {transform_indices = #map1}, {transform_indices = #map1}, {transform_indices = #map}, {transform_indices = #map}]} {
    %mul3A = arith.constant 2 : i32
    %mul3A_0 = arith.muli %arg1, %mul3A : i32
    %add3A = arith.addi %mul3A_0, %arg0 : i32
    %mul3A_1 = arith.constant 16 : i32
    %mul3A_2 = arith.muli %add3A, %mul3A_1 : i32
    "tpu.region"() ({
      %run_scoped3A = tpu.sem_alloc : memref<!tpu.dma_semaphore, #tpu.memory_space<semaphore_mem>>
      %dma_start3A = tpu.memref_slice %arg6[%mul3A_2] : memref<512xi32, #tpu.memory_space<hbm>> -> memref<16xi32, #tpu.memory_space<hbm>>
      %dma_start3A_11 = tpu.memref_slice %arg6[%mul3A_2] : memref<512xi32, #tpu.memory_space<hbm>> -> memref<16xi32, #tpu.memory_space<hbm>>
      tpu.enqueue_dma source(%dma_start3A_11 : memref<16xi32, #tpu.memory_space<hbm>>) target(%arg10 : memref<16xi32, #tpu.memory_space<vmem>>) target_semaphore(%run_scoped3A : memref<!tpu.dma_semaphore, #tpu.memory_space<semaphore_mem>>)
      %dma_wait3A = tpu.memref_slice %arg6[%mul3A_2] : memref<512xi32, #tpu.memory_space<hbm>> -> memref<16xi32, #tpu.memory_space<hbm>>
      %dma_wait3A_12 = tpu.memref_slice %arg6[%mul3A_2] : memref<512xi32, #tpu.memory_space<hbm>> -> memref<16xi32, #tpu.memory_space<hbm>>
      tpu.wait_dma2 semaphore(%run_scoped3A : memref<!tpu.dma_semaphore, #tpu.memory_space<semaphore_mem>>) src(%dma_wait3A_12 : memref<16xi32, #tpu.memory_space<hbm>>) dst(%arg10 : memref<16xi32, #tpu.memory_space<vmem>>)
      tpu.yield
    }) : () -> ()
    %get3A = arith.constant 0 : index
    %get3A_3 = tpu.vector_load %arg10[%get3A] {strides = array<i32>} : memref<16xi32, #tpu.memory_space<vmem>>, vector<16xi32>,
    %get3A_4 = vector.shape_cast %get3A_3 : vector<16xi32> to vector<16xi32>
    %slice3A = vector.extract_strided_slice %get3A_4 {offsets = [0], sizes = [1], strides = [1]} : vector<16xi32> to vector<1xi32>
    %squeeze3A = vector.extract %slice3A[0] : i32 from vector<1xi32>
    %gt3A = arith.constant 0 : i32
    %gt3A_5 = arith.cmpi sgt, %squeeze3A, %gt3A : i32
    %not3A = arith.constant true
    %not3A_6 = arith.xori %gt3A_5, %not3A : i1
    %convert_element_type3A = arith.extui %not3A_6 : i1 to i32
    %cond3A = arith.constant 0 : i32
    %cond3A_7 = arith.cmpi ne, %convert_element_type3A, %cond3A : i32
    scf.if %cond3A_7 {
      %mul3A_11 = arith.constant 64 : i32
      %mul3A_12 = arith.muli %add3A, %mul3A_11 : i32
      %dma_start3A = arith.constant 0 : i32
      %dma_start3A_13 = tpu.memref_slice %arg2[%mul3A_12, %dma_start3A] : memref<2048x1024xf32, #tpu.memory_space<hbm>> -> memref<32x1024xf32, #tpu.memory_space<hbm>>
      %dma_start3A_14 = arith.constant 0 : i32
      %dma_start3A_15 = tpu.memref_slice %arg2[%mul3A_12, %dma_start3A_14] : memref<2048x1024xf32, #tpu.memory_space<hbm>> -> memref<32x1024xf32, #tpu.memory_space<hbm>>
      tpu.enqueue_dma source(%dma_start3A_15 : memref<32x1024xf32, #tpu.memory_space<hbm>>) target(%arg13 : memref<32x1024xf32, #tpu.memory_space<vmem>>) target_semaphore(%arg15 : memref<!tpu.dma_semaphore, #tpu.memory_space<semaphore_mem>>)
      %add3A_16 = arith.constant 32 : i32
      %add3A_17 = arith.addi %mul3A_12, %add3A_16 : i32
      %dma_start3A_18 = arith.constant 0 : i32
      %dma_start3A_19 = tpu.memref_slice %arg2[%add3A_17, %dma_start3A_18] : memref<2048x1024xf32, #tpu.memory_space<hbm>> -> memref<32x1024xf32, #tpu.memory_space<hbm>>
      %dma_start3A_20 = arith.constant 0 : i32
      %dma_start3A_21 = tpu.memref_slice %arg2[%add3A_17, %dma_start3A_20] : memref<2048x1024xf32, #tpu.memory_space<hbm>> -> memref<32x1024xf32, #tpu.memory_space<hbm>>
      tpu.enqueue_dma source(%dma_start3A_21 : memref<32x1024xf32, #tpu.memory_space<hbm>>) target(%arg14 : memref<32x1024xf32, #tpu.memory_space<vmem>>) target_semaphore(%arg15 : memref<!tpu.dma_semaphore, #tpu.memory_space<semaphore_mem>>)
      %dma_wait3A = arith.constant 0 : i32
      %dma_wait3A_22 = tpu.memref_slice %arg2[%mul3A_12, %dma_wait3A] : memref<2048x1024xf32, #tpu.memory_space<hbm>> -> memref<32x1024xf32, #tpu.memory_space<hbm>>
      %dma_wait3A_23 = arith.constant 0 : i32
      %dma_wait3A_24 = tpu.memref_slice %arg2[%mul3A_12, %dma_wait3A_23] : memref<2048x1024xf32, #tpu.memory_space<hbm>> -> memref<32x1024xf32, #tpu.memory_space<hbm>>
      tpu.wait_dma2 semaphore(%arg15 : memref<!tpu.dma_semaphore, #tpu.memory_space<semaphore_mem>>) src(%dma_wait3A_24 : memref<32x1024xf32, #tpu.memory_space<hbm>>) dst(%arg13 : memref<32x1024xf32, #tpu.memory_space<vmem>>)
      %dma_wait3A_25 = arith.constant 0 : i32
      %dma_wait3A_26 = tpu.memref_slice %arg2[%add3A_17, %dma_wait3A_25] : memref<2048x1024xf32, #tpu.memory_space<hbm>> -> memref<32x1024xf32, #tpu.memory_space<hbm>>
      %dma_wait3A_27 = arith.constant 0 : i32
      %dma_wait3A_28 = tpu.memref_slice %arg2[%add3A_17, %dma_wait3A_27] : memref<2048x1024xf32, #tpu.memory_space<hbm>> -> memref<32x1024xf32, #tpu.memory_space<hbm>>
      tpu.wait_dma2 semaphore(%arg15 : memref<!tpu.dma_semaphore, #tpu.memory_space<semaphore_mem>>) src(%dma_wait3A_28 : memref<32x1024xf32, #tpu.memory_space<hbm>>) dst(%arg14 : memref<32x1024xf32, #tpu.memory_space<vmem>>)
      %dma_start3A_29 = arith.constant 0 : i32
      %dma_start3A_30 = tpu.memref_slice %arg8[%mul3A_12, %dma_start3A_29] : memref<2048x1024xf32, #tpu.memory_space<hbm>> -> memref<32x1024xf32, #tpu.memory_space<hbm>>
      %dma_start3A_31 = arith.constant 0 : i32
      %dma_start3A_32 = tpu.memref_slice %arg8[%mul3A_12, %dma_start3A_31] : memref<2048x1024xf32, #tpu.memory_space<hbm>> -> memref<32x1024xf32, #tpu.memory_space<hbm>>
      tpu.enqueue_dma source(%arg13 : memref<32x1024xf32, #tpu.memory_space<vmem>>) target(%dma_start3A_32 : memref<32x1024xf32, #tpu.memory_space<hbm>>) target_semaphore(%arg15 : memref<!tpu.dma_semaphore, #tpu.memory_space<semaphore_mem>>)
      %add3A_33 = arith.constant 32 : i32
      %add3A_34 = arith.addi %mul3A_12, %add3A_33 : i32
      %dma_start3A_35 = arith.constant 0 : i32
      %dma_start3A_36 = tpu.memref_slice %arg8[%add3A_34, %dma_start3A_35] : memref<2048x1024xf32, #tpu.memory_space<hbm>> -> memref<32x1024xf32, #tpu.memory_space<hbm>>
      %dma_start3A_37 = arith.constant 0 : i32
      %dma_start3A_38 = tpu.memref_slice %arg8[%add3A_34, %dma_start3A_37] : memref<2048x1024xf32, #tpu.memory_space<hbm>> -> memref<32x1024xf32, #tpu.memory_space<hbm>>
      tpu.enqueue_dma source(%arg14 : memref<32x1024xf32, #tpu.memory_space<vmem>>) target(%dma_start3A_38 : memref<32x1024xf32, #tpu.memory_space<hbm>>) target_semaphore(%arg15 : memref<!tpu.dma_semaphore, #tpu.memory_space<semaphore_mem>>)
      %dma_wait3A_39 = arith.constant 0 : i32
      %dma_wait3A_40 = tpu.memref_slice %arg8[%mul3A_12, %dma_wait3A_39] : memref<2048x1024xf32, #tpu.memory_space<hbm>> -> memref<32x1024xf32, #tpu.memory_space<hbm>>
      %dma_wait3A_41 = arith.constant 0 : i32
      %dma_wait3A_42 = tpu.memref_slice %arg8[%mul3A_12, %dma_wait3A_41] : memref<2048x1024xf32, #tpu.memory_space<hbm>> -> memref<32x1024xf32, #tpu.memory_space<hbm>>
      tpu.wait_dma2 semaphore(%arg15 : memref<!tpu.dma_semaphore, #tpu.memory_space<semaphore_mem>>) src(%arg13 : memref<32x1024xf32, #tpu.memory_space<vmem>>) dst(%dma_wait3A_42 : memref<32x1024xf32, #tpu.memory_space<hbm>>)
      %dma_wait3A_43 = arith.constant 0 : i32
      %dma_wait3A_44 = tpu.memref_slice %arg8[%add3A_34, %dma_wait3A_43] : memref<2048x1024xf32, #tpu.memory_space<hbm>> -> memref<32x1024xf32, #tpu.memory_space<hbm>>
      %dma_wait3A_45 = arith.constant 0 : i32
      %dma_wait3A_46 = tpu.memref_slice %arg8[%add3A_34, %dma_wait3A_45] : memref<2048x1024xf32, #tpu.memory_space<hbm>> -> memref<32x1024xf32, #tpu.memory_space<hbm>>
      tpu.wait_dma2 semaphore(%arg15 : memref<!tpu.dma_semaphore, #tpu.memory_space<semaphore_mem>>) src(%arg14 : memref<32x1024xf32, #tpu.memory_space<vmem>>) dst(%dma_wait3A_46 : memref<32x1024xf32, #tpu.memory_space<hbm>>)
    } else {
    }
    %convert_element_type3A_8 = arith.extui %gt3A_5 : i1 to i32
    %cond3A_9 = arith.constant 0 : i32
    %cond3A_10 = arith.cmpi ne, %convert_element_type3A_8, %cond3A_9 : i32
    scf.if %cond3A_10 {
      %scan3A = arith.constant 0 : i32
      %scan3A_11 = arith.constant 0 : i32
      %scan3A_12 = arith.constant 2 : i32
      %scan3A_13 = arith.addi %scan3A_11, %scan3A_12 : i32
      %scan3A_14 = arith.constant 1 : i32
      scf.for %scan3A_16 = %scan3A_11 to %scan3A_13 step %scan3A_14  : i32 {
        %mul3A_17 = arith.constant 64 : i32
        %mul3A_18 = arith.muli %add3A, %mul3A_17 : i32
        %mul3A_19 = arith.constant 32 : i32
        %mul3A_20 = arith.muli %scan3A_16, %mul3A_19 : i32
        %add3A_21 = arith.addi %mul3A_18, %mul3A_20 : i32
        "tpu.region"() ({
          %run_scoped3A = tpu.sem_alloc : memref<!tpu.dma_semaphore, #tpu.memory_space<semaphore_mem>>
          %dma_start3A_32 = tpu.memref_slice %arg3[%add3A_21] : memref<2048xi32, #tpu.memory_space<hbm>> -> memref<32xi32, #tpu.memory_space<hbm>>
          %dma_start3A_33 = tpu.memref_slice %arg3[%add3A_21] : memref<2048xi32, #tpu.memory_space<hbm>> -> memref<32xi32, #tpu.memory_space<hbm>>
          tpu.enqueue_dma source(%dma_start3A_33 : memref<32xi32, #tpu.memory_space<hbm>>) target(%arg9 : memref<32xi32, #tpu.memory_space<vmem>>) target_semaphore(%run_scoped3A : memref<!tpu.dma_semaphore, #tpu.memory_space<semaphore_mem>>)
          %dma_wait3A_34 = tpu.memref_slice %arg3[%add3A_21] : memref<2048xi32, #tpu.memory_space<hbm>> -> memref<32xi32, #tpu.memory_space<hbm>>
          %dma_wait3A_35 = tpu.memref_slice %arg3[%add3A_21] : memref<2048xi32, #tpu.memory_space<hbm>> -> memref<32xi32, #tpu.memory_space<hbm>>
          tpu.wait_dma2 semaphore(%run_scoped3A : memref<!tpu.dma_semaphore, #tpu.memory_space<semaphore_mem>>) src(%dma_wait3A_35 : memref<32xi32, #tpu.memory_space<hbm>>) dst(%arg9 : memref<32xi32, #tpu.memory_space<vmem>>)
          tpu.yield
        }) : () -> ()
        "tpu.region"() ({
          %run_scoped3A = tpu.sem_alloc : memref<!tpu.dma_semaphore, #tpu.memory_space<semaphore_mem>>
          %dma_start3A_32 = tpu.memref_slice %arg4[%add3A_21] : memref<2048xf32, #tpu.memory_space<hbm>> -> memref<32xf32, #tpu.memory_space<hbm>>
          %dma_start3A_33 = tpu.memref_slice %arg4[%add3A_21] : memref<2048xf32, #tpu.memory_space<hbm>> -> memref<32xf32, #tpu.memory_space<hbm>>
          tpu.enqueue_dma source(%dma_start3A_33 : memref<32xf32, #tpu.memory_space<hbm>>) target(%arg11 : memref<32xf32, #tpu.memory_space<vmem>>) target_semaphore(%run_scoped3A : memref<!tpu.dma_semaphore, #tpu.memory_space<semaphore_mem>>)
          %dma_wait3A_34 = tpu.memref_slice %arg4[%add3A_21] : memref<2048xf32, #tpu.memory_space<hbm>> -> memref<32xf32, #tpu.memory_space<hbm>>
          %dma_wait3A_35 = tpu.memref_slice %arg4[%add3A_21] : memref<2048xf32, #tpu.memory_space<hbm>> -> memref<32xf32, #tpu.memory_space<hbm>>
          tpu.wait_dma2 semaphore(%run_scoped3A : memref<!tpu.dma_semaphore, #tpu.memory_space<semaphore_mem>>) src(%dma_wait3A_35 : memref<32xf32, #tpu.memory_space<hbm>>) dst(%arg11 : memref<32xf32, #tpu.memory_space<vmem>>)
          tpu.yield
        }) : () -> ()
        "tpu.region"() ({
          %run_scoped3A = tpu.sem_alloc : memref<!tpu.dma_semaphore, #tpu.memory_space<semaphore_mem>>
          %dma_start3A_32 = tpu.memref_slice %arg5[%add3A_21] : memref<2048xf32, #tpu.memory_space<hbm>> -> memref<32xf32, #tpu.memory_space<hbm>>
          %dma_start3A_33 = tpu.memref_slice %arg5[%add3A_21] : memref<2048xf32, #tpu.memory_space<hbm>> -> memref<32xf32, #tpu.memory_space<hbm>>
          tpu.enqueue_dma source(%dma_start3A_33 : memref<32xf32, #tpu.memory_space<hbm>>) target(%arg12 : memref<32xf32, #tpu.memory_space<vmem>>) target_semaphore(%run_scoped3A : memref<!tpu.dma_semaphore, #tpu.memory_space<semaphore_mem>>)
          %dma_wait3A_34 = tpu.memref_slice %arg5[%add3A_21] : memref<2048xf32, #tpu.memory_space<hbm>> -> memref<32xf32, #tpu.memory_space<hbm>>
          %dma_wait3A_35 = tpu.memref_slice %arg5[%add3A_21] : memref<2048xf32, #tpu.memory_space<hbm>> -> memref<32xf32, #tpu.memory_space<hbm>>
          tpu.wait_dma2 semaphore(%run_scoped3A : memref<!tpu.dma_semaphore, #tpu.memory_space<semaphore_mem>>) src(%dma_wait3A_35 : memref<32xf32, #tpu.memory_space<hbm>>) dst(%arg12 : memref<32xf32, #tpu.memory_space<vmem>>)
          tpu.yield
        }) : () -> ()
        "tpu.region"() ({
          %run_scoped3A = tpu.sem_alloc : memref<!tpu.dma_semaphore, #tpu.memory_space<semaphore_mem>>
          %dma_start3A_32 = arith.constant 0 : i32
          %dma_start3A_33 = tpu.memref_slice %arg2[%add3A_21, %dma_start3A_32] : memref<2048x1024xf32, #tpu.memory_space<hbm>> -> memref<32x1024xf32, #tpu.memory_space<hbm>>
          %dma_start3A_34 = arith.constant 0 : i32
          %dma_start3A_35 = tpu.memref_slice %arg2[%add3A_21, %dma_start3A_34] : memref<2048x1024xf32, #tpu.memory_space<hbm>> -> memref<32x1024xf32, #tpu.memory_space<hbm>>
          tpu.enqueue_dma source(%dma_start3A_35 : memref<32x1024xf32, #tpu.memory_space<hbm>>) target(%arg13 : memref<32x1024xf32, #tpu.memory_space<vmem>>) target_semaphore(%run_scoped3A : memref<!tpu.dma_semaphore, #tpu.memory_space<semaphore_mem>>)
          %dma_wait3A_36 = arith.constant 0 : i32
          %dma_wait3A_37 = tpu.memref_slice %arg2[%add3A_21, %dma_wait3A_36] : memref<2048x1024xf32, #tpu.memory_space<hbm>> -> memref<32x1024xf32, #tpu.memory_space<hbm>>
          %dma_wait3A_38 = arith.constant 0 : i32
          %dma_wait3A_39 = tpu.memref_slice %arg2[%add3A_21, %dma_wait3A_38] : memref<2048x1024xf32, #tpu.memory_space<hbm>> -> memref<32x1024xf32, #tpu.memory_space<hbm>>
          tpu.wait_dma2 semaphore(%run_scoped3A : memref<!tpu.dma_semaphore, #tpu.memory_space<semaphore_mem>>) src(%dma_wait3A_39 : memref<32x1024xf32, #tpu.memory_space<hbm>>) dst(%arg13 : memref<32x1024xf32, #tpu.memory_space<vmem>>)
          tpu.yield
        }) : () -> ()
        %dma_start3A = arith.constant 0 : i32
        %dma_start3A_22 = arith.constant 0 : i32
        %dma_start3A_23 = tpu.memref_slice %arg7[%dma_start3A, %dma_start3A_22] : memref<2600x1024xf32, #tpu.memory_space<hbm>> -> memref<2600x1024xf32, #tpu.memory_space<hbm>>
        tpu.enqueue_indirect_dma source(%dma_start3A_23 : memref<2600x1024xf32, #tpu.memory_space<hbm>>) target(%arg14 : memref<32x1024xf32, #tpu.memory_space<vmem>>) offsets(%arg9 : memref<32xi32, #tpu.memory_space<vmem>>) semaphore(%arg15 : memref<!tpu.dma_semaphore, #tpu.memory_space<semaphore_mem>>)
        %dma_wait3A = arith.constant 0 : i32
        %dma_wait3A_24 = arith.constant 0 : i32
        %dma_wait3A_25 = tpu.memref_slice %arg7[%dma_wait3A, %dma_wait3A_24] : memref<2600x1024xf32, #tpu.memory_space<hbm>> -> memref<2600x1024xf32, #tpu.memory_space<hbm>>
        tpu.wait_indirect_dma semaphore(%arg15 : memref<!tpu.dma_semaphore, #tpu.memory_space<semaphore_mem>>) src(%dma_wait3A_25 : memref<2600x1024xf32, #tpu.memory_space<hbm>>) dst(%arg14 : memref<32x1024xf32, #tpu.memory_space<vmem>>)
        %scan3A_26 = arith.constant 0 : i32
        %scan3A_27 = arith.constant 0 : i32
        %scan3A_28 = arith.constant 2 : i32
        %scan3A_29 = arith.addi %scan3A_27, %scan3A_28 : i32
        %scan3A_30 = arith.constant 1 : i32
        scf.for %scan3A_32 = %scan3A_27 to %scan3A_29 step %scan3A_30  : i32 {
          %mul3A_33 = arith.constant 16 : i32
          %mul3A_34 = arith.muli %scan3A_32, %mul3A_33 : i32
          %get3A_35 = arith.index_cast %mul3A_34 : i32 to index
          %get3A_36 = tpu.vector_load %arg11[%get3A_35] {strides = array<i32>} : memref<32xf32, #tpu.memory_space<vmem>>, vector<16xf32>,
          %get3A_37 = vector.shape_cast %get3A_36 : vector<16xf32> to vector<16xf32>
          %mul3A_38 = arith.constant 16 : i32
          %mul3A_39 = arith.muli %scan3A_32, %mul3A_38 : i32
          %get3A_40 = arith.index_cast %mul3A_39 : i32 to index
          %get3A_41 = tpu.vector_load %arg12[%get3A_40] {strides = array<i32>} : memref<32xf32, #tpu.memory_space<vmem>>, vector<16xf32>,
          %get3A_42 = vector.shape_cast %get3A_41 : vector<16xf32> to vector<16xf32>
          %scan3A_43 = arith.constant 0 : i32
          %scan3A_44 = arith.constant 16 : i32
          %scan3A_45 = arith.addi %scan3A_43, %scan3A_44 : i32
          %scan3A_46 = arith.constant 1 : i32
          scf.for %scan3A_48 = %scan3A_43 to %scan3A_45 step %scan3A_46  : i32 {
            %broadcast_in_dim3A = vector.broadcast %scan3A_48 : i32 to vector<16xi32>
            %broadcast_in_dim3A_49 = vector.shape_cast %broadcast_in_dim3A : vector<16xi32> to vector<16x1xi32>
            %gather3A = vector.shape_cast %broadcast_in_dim3A_49 : vector<16x1xi32> to vector<16xi32>
            %gather3A_50 = tpu.dynamic_gather %get3A_37[%gather3A] in [0] : vector<16xf32>, vector<16xi32> -> vector<16xf32>
            %broadcast_in_dim3A_51 = vector.shape_cast %broadcast_in_dim3A : vector<16xi32> to vector<16x1xi32>
            %gather3A_52 = vector.shape_cast %broadcast_in_dim3A_51 : vector<16x1xi32> to vector<16xi32>
            %gather3A_53 = tpu.dynamic_gather %get3A_42[%gather3A_52] in [0] : vector<16xf32>, vector<16xi32> -> vector<16xf32>
            %mul3A_54 = arith.constant 16 : i32
            %mul3A_55 = arith.muli %scan3A_32, %mul3A_54 : i32
            %add3A_56 = arith.addi %mul3A_55, %scan3A_48 : i32
            %scan3A_57 = arith.constant 0 : i32
            %scan3A_58 = arith.constant 64 : i32
            %scan3A_59 = arith.addi %scan3A_57, %scan3A_58 : i32
            %scan3A_60 = arith.constant 1 : i32
            scf.for %scan3A_62 = %scan3A_57 to %scan3A_59 step %scan3A_60  : i32 {
              %mul3A_63 = arith.constant 16 : i32
              %mul3A_64 = arith.muli %scan3A_62, %mul3A_63 : i32
              %get3A_65 = arith.index_cast %add3A_56 : i32 to index
              %get3A_66 = arith.index_cast %mul3A_64 : i32 to index
              %get3A_67 = tpu.vector_load %arg13[%get3A_65, %get3A_66] {strides = array<i32>} : memref<32x1024xf32, #tpu.memory_space<vmem>>, vector<1x16xf32>,
              %get3A_68 = vector.shape_cast %get3A_67 : vector<1x16xf32> to vector<16xf32>
              %mul3A_69 = arith.constant 16 : i32
              %mul3A_70 = arith.muli %scan3A_62, %mul3A_69 : i32
              %get3A_71 = arith.index_cast %add3A_56 : i32 to index
              %get3A_72 = arith.index_cast %mul3A_70 : i32 to index
              %get3A_73 = tpu.vector_load %arg14[%get3A_71, %get3A_72] {strides = array<i32>} : memref<32x1024xf32, #tpu.memory_space<vmem>>, vector<1x16xf32>,
              %get3A_74 = vector.shape_cast %get3A_73 : vector<1x16xf32> to vector<16xf32>
              %mul3A_75 = arith.mulf %gather3A_50, %get3A_68 : vector<16xf32>
              %mul3A_76 = arith.mulf %gather3A_53, %get3A_74 : vector<16xf32>
              %add3A_77 = arith.addf %mul3A_75, %mul3A_76 : vector<16xf32>
              %mul3A_78 = arith.constant 16 : i32
              %mul3A_79 = arith.muli %scan3A_62, %mul3A_78 : i32
              %swap3A = arith.index_cast %add3A_56 : i32 to index
              %swap3A_80 = arith.index_cast %mul3A_79 : i32 to index
              %swap3A_81 = tpu.vector_load %arg13[%swap3A, %swap3A_80] {strides = array<i32>} : memref<32x1024xf32, #tpu.memory_space<vmem>>, vector<1x16xf32>,
              %swap3A_82 = vector.shape_cast %swap3A_81 : vector<1x16xf32> to vector<16xf32>
              %swap3A_83 = vector.shape_cast %add3A_77 : vector<16xf32> to vector<1x16xf32>
              tpu.vector_store %arg13[%swap3A, %swap3A_80], %swap3A_83 {strides = array<i32>} : memref<32x1024xf32, #tpu.memory_space<vmem>>, vector<1x16xf32>,
            }
            %scan3A_61 = arith.constant 64 : i32
          }
          %scan3A_47 = arith.constant 16 : i32
        }
        %scan3A_31 = arith.constant 2 : i32
        "tpu.region"() ({
          %run_scoped3A = tpu.sem_alloc : memref<!tpu.dma_semaphore, #tpu.memory_space<semaphore_mem>>
          %dma_start3A_32 = arith.constant 0 : i32
          %dma_start3A_33 = tpu.memref_slice %arg8[%add3A_21, %dma_start3A_32] : memref<2048x1024xf32, #tpu.memory_space<hbm>> -> memref<32x1024xf32, #tpu.memory_space<hbm>>
          %dma_start3A_34 = arith.constant 0 : i32
          %dma_start3A_35 = tpu.memref_slice %arg8[%add3A_21, %dma_start3A_34] : memref<2048x1024xf32, #tpu.memory_space<hbm>> -> memref<32x1024xf32, #tpu.memory_space<hbm>>
          tpu.enqueue_dma source(%arg13 : memref<32x1024xf32, #tpu.memory_space<vmem>>) target(%dma_start3A_35 : memref<32x1024xf32, #tpu.memory_space<hbm>>) target_semaphore(%run_scoped3A : memref<!tpu.dma_semaphore, #tpu.memory_space<semaphore_mem>>)
          %dma_wait3A_36 = arith.constant 0 : i32
          %dma_wait3A_37 = tpu.memref_slice %arg8[%add3A_21, %dma_wait3A_36] : memref<2048x1024xf32, #tpu.memory_space<hbm>> -> memref<32x1024xf32, #tpu.memory_space<hbm>>
          %dma_wait3A_38 = arith.constant 0 : i32
          %dma_wait3A_39 = tpu.memref_slice %arg8[%add3A_21, %dma_wait3A_38] : memref<2048x1024xf32, #tpu.memory_space<hbm>> -> memref<32x1024xf32, #tpu.memory_space<hbm>>
          tpu.wait_dma2 semaphore(%run_scoped3A : memref<!tpu.dma_semaphore, #tpu.memory_space<semaphore_mem>>) src(%arg13 : memref<32x1024xf32, #tpu.memory_space<vmem>>) dst(%dma_wait3A_39 : memref<32x1024xf32, #tpu.memory_space<hbm>>)
          tpu.yield
        }) : () -> ()
      }
      %scan3A_15 = arith.constant 2 : i32
    } else {
    }
    return
  }
}

module attributes {stable_mosaic.version = 14 : i64} {
  func.func @_router_kernel(%arg0: i32, %arg1: memref<128x1024xf32, #tpu.memory_space<vmem>>, %arg2: memref<1024x64xf32, #tpu.memory_space<vmem>>, %arg3: memref<128x1xi32, #tpu.memory_space<vmem>>, %arg4: memref<128x1xf32, #tpu.memory_space<vmem>>, %arg5: memref<128x1xf32, #tpu.memory_space<vmem>>, %arg6: memref<1x1x64xi32, #tpu.memory_space<vmem>>, %arg7: memref<1x1x64xi32, #tpu.memory_space<vmem>>, %arg8: memref<1x2x16xi32, #tpu.memory_space<vmem>>, %arg9: memref<1x2x16xi32, #tpu.memory_space<vmem>>, %arg10: memref<128x2xi32, #tpu.memory_space<vmem>>) attributes {dimension_semantics = [#tpu.dimension_semantics<arbitrary>], iteration_bounds = array<i64: 16>, scalar_prefetch = 0 : i64, scratch_operands = 0 : i64, tpu.core_type = #tpu.core_type<tc>, window_params = [{transform_indices = @transform_0, window_bounds = array<i64: 128, 1024>}, {pipeline_mode = #tpu.pipeline_mode<synchronous>, transform_indices = @transform_1, window_bounds = array<i64: 1024, 64>}, {transform_indices = @transform_2, window_bounds = array<i64: 128, 1>}, {transform_indices = @transform_3, window_bounds = array<i64: 128, 1>}, {transform_indices = @transform_4, window_bounds = array<i64: 128, 1>}, {pipeline_mode = #tpu.pipeline_mode<synchronous>, transform_indices = @transform_5, window_bounds = array<i64: 1, 1, 64>}, {pipeline_mode = #tpu.pipeline_mode<synchronous>, transform_indices = @transform_6, window_bounds = array<i64: 1, 1, 64>}, {transform_indices = @transform_7, window_bounds = array<i64: 1, 2, 16>}, {transform_indices = @transform_8, window_bounds = array<i64: 1, 2, 16>}, {pipeline_mode = #tpu.pipeline_mode<synchronous>, transform_indices = @transform_9, window_bounds = array<i64: 128, 2>}]} {
    %get3A = arith.constant 0 : index
    %get3A_0 = arith.constant 0 : index
    %get3A_1 = vector.load %arg1[%get3A, %get3A_0] : memref<128x1024xf32, #tpu.memory_space<vmem>>, vector<128x1024xf32>
    %get3A_2 = arith.constant 0 : index
    %get3A_3 = arith.constant 0 : index
    %get3A_4 = vector.load %arg2[%get3A_2, %get3A_3] : memref<1024x64xf32, #tpu.memory_space<vmem>>, vector<1024x64xf32>
    %dot_general3A = arith.constant dense<0.000000e+00> : vector<128x64xf32>
    %dot_general3A_5 = tpu.matmul %get3A_1, %get3A_4, %dot_general3A {dimension_numbers = #tpu.dot_dimension_numbers<[1], [0], [0], [1], [0, 0, 1, 1], [], []>, transpose_lhs_hint = false} : vector<128x1024xf32>, vector<1024x64xf32>, vector<128x64xf32> -> vector<128x64xf32>
    %reduce_max3A = arith.constant dense<0xFF800000> : vector<128xf32>
    %reduce_max3A_6 = vector.multi_reduction <maximumf>, %dot_general3A_5, %reduce_max3A [1] : vector<128x64xf32> to vector<128xf32>
    %broadcast_in_dim3A = vector.shape_cast %reduce_max3A_6 : vector<128xf32> to vector<128x1xf32>
    %sub3A = vector.broadcast %broadcast_in_dim3A : vector<128x1xf32> to vector<128x64xf32>
    %sub3A_7 = arith.subf %dot_general3A_5, %sub3A : vector<128x64xf32>
    %exp3A = math.exp %sub3A_7 : vector<128x64xf32>
    %reduce_sum3A = arith.constant dense<0.000000e+00> : vector<128xf32>
    %reduce_sum3A_8 = vector.multi_reduction <add>, %exp3A, %reduce_sum3A [1] : vector<128x64xf32> to vector<128xf32>
    %broadcast_in_dim3A_9 = vector.shape_cast %reduce_sum3A_8 : vector<128xf32> to vector<128x1xf32>
    %div3A = arith.constant 1.000000e+00 : f32
    %div3A_10 = vector.broadcast %div3A : f32 to vector<128x1xf32>
    %div3A_11 = arith.divf %div3A_10, %broadcast_in_dim3A_9 : vector<128x1xf32>
    %iota3A = tpu.iota {dimensions = array<i32: 1>} : vector<128x64xi32>
    %eq3A = vector.broadcast %broadcast_in_dim3A : vector<128x1xf32> to vector<128x64xf32>
    %eq3A_12 = arith.cmpf oeq, %dot_general3A_5, %eq3A : vector<128x64xf32>
    %jit3A = arith.constant 64 : i32
    %broadcast_in_dim3A_13 = vector.broadcast %jit3A : i32 to vector<128x64xi32>
    %select_n3A = arith.select %eq3A_12, %iota3A, %broadcast_in_dim3A_13 : vector<128x64xi1>, vector<128x64xi32>
    %reduce_min3A = arith.constant dense<2147483647> : vector<128xi32>
    %reduce_min3A_14 = vector.multi_reduction <minsi>, %select_n3A, %reduce_min3A [1] : vector<128x64xi32> to vector<128xi32>
    %broadcast_in_dim3A_15 = vector.shape_cast %reduce_min3A_14 : vector<128xi32> to vector<128x1xi32>
    %eq3A_16 = vector.broadcast %broadcast_in_dim3A_15 : vector<128x1xi32> to vector<128x64xi32>
    %eq3A_17 = arith.cmpi eq, %iota3A, %eq3A_16 : vector<128x64xi32>
    %convert_element_type3A = arith.extui %eq3A_17 : vector<128x64xi1> to vector<128x64xi32>
    %convert_element_type3A_18 = arith.sitofp %convert_element_type3A : vector<128x64xi32> to vector<128x64xf32>
    %eq3A_19 = arith.constant 0 : i32
    %eq3A_20 = arith.cmpi eq, %arg0, %eq3A_19 : i32
    %convert_element_type3A_21 = arith.extui %eq3A_20 : i1 to i32
    %cond3A = arith.constant 0 : i32
    %cond3A_22 = arith.cmpi ne, %convert_element_type3A_21, %cond3A : i32
    scf.if %cond3A_22 {
      %broadcast_in_dim3A_166 = arith.constant 0 : i32
      %broadcast_in_dim3A_167 = vector.broadcast %broadcast_in_dim3A_166 : i32 to vector<1x1x64xi32>
      %swap3A_168 = arith.constant 0 : index
      %swap3A_169 = arith.constant 0 : index
      %swap3A_170 = arith.constant 0 : index
      %swap3A_171 = vector.load %arg6[%swap3A_168, %swap3A_169, %swap3A_170] : memref<1x1x64xi32, #tpu.memory_space<vmem>>, vector<1x1x64xi32>
      tpu.vector_store %arg6[%swap3A_168, %swap3A_169, %swap3A_170], %broadcast_in_dim3A_167 {strides = array<i32>} : memref<1x1x64xi32, #tpu.memory_space<vmem>>, vector<1x1x64xi32>,
      %broadcast_in_dim3A_172 = arith.constant 0 : i32
      %broadcast_in_dim3A_173 = vector.broadcast %broadcast_in_dim3A_172 : i32 to vector<1x1x64xi32>
      %swap3A_174 = arith.constant 0 : index
      %swap3A_175 = arith.constant 0 : index
      %swap3A_176 = arith.constant 0 : index
      %swap3A_177 = vector.load %arg7[%swap3A_174, %swap3A_175, %swap3A_176] : memref<1x1x64xi32, #tpu.memory_space<vmem>>, vector<1x1x64xi32>
      tpu.vector_store %arg7[%swap3A_174, %swap3A_175, %swap3A_176], %broadcast_in_dim3A_173 {strides = array<i32>} : memref<1x1x64xi32, #tpu.memory_space<vmem>>, vector<1x1x64xi32>,
    } else {
    }
    %get3A_23 = arith.constant 0 : index
    %get3A_24 = arith.constant 0 : index
    %get3A_25 = arith.constant 0 : index
    %get3A_26 = vector.load %arg6[%get3A_23, %get3A_24, %get3A_25] : memref<1x1x64xi32, #tpu.memory_space<vmem>>, vector<1x1x64xi32>
    %reshape3A = vector.shape_cast %get3A_26 : vector<1x1x64xi32> to vector<1x64xi32>
    %convert_element_type3A_27 = arith.sitofp %reshape3A : vector<1x64xi32> to vector<1x64xf32>
    %iota3A_28 = tpu.iota {dimensions = array<i32: 0>} : vector<128x128xi32>
    %iota3A_29 = tpu.iota {dimensions = array<i32: 1>} : vector<128x128xi32>
    %gt3A = arith.cmpi sgt, %iota3A_28, %iota3A_29 : vector<128x128xi32>
    %convert_element_type3A_30 = arith.extui %gt3A : vector<128x128xi1> to vector<128x128xi32>
    %convert_element_type3A_31 = arith.sitofp %convert_element_type3A_30 : vector<128x128xi32> to vector<128x128xf32>
    %dot_general3A_32 = arith.constant dense<0.000000e+00> : vector<128x64xf32>
    %dot_general3A_33 = tpu.matmul %convert_element_type3A_31, %convert_element_type3A_18, %dot_general3A_32 {dimension_numbers = #tpu.dot_dimension_numbers<[1], [0], [0], [1], [0, 0, 1, 1], [], []>, transpose_lhs_hint = false} : vector<128x128xf32>, vector<128x64xf32>, vector<128x64xf32> -> vector<128x64xf32>
    %add3A = vector.broadcast %convert_element_type3A_27 : vector<1x64xf32> to vector<128x64xf32>
    %add3A_34 = arith.addf %dot_general3A_33, %add3A : vector<128x64xf32>
    %mul3A = arith.mulf %add3A_34, %convert_element_type3A_18 : vector<128x64xf32>
    %reduce_sum3A_35 = arith.constant dense<0.000000e+00> : vector<128xf32>
    %reduce_sum3A_36 = vector.multi_reduction <add>, %mul3A, %reduce_sum3A_35 [1] : vector<128x64xf32> to vector<128xf32>
    %broadcast_in_dim3A_37 = vector.shape_cast %reduce_sum3A_36 : vector<128xf32> to vector<128x1xf32>
    %convert_element_type3A_38 = arith.fptosi %broadcast_in_dim3A_37 : vector<128x1xf32> to vector<128x1xi32>
    %reduce_sum3A_39 = arith.constant dense<0.000000e+00> : vector<64xf32>
    %reduce_sum3A_40 = vector.multi_reduction <add>, %convert_element_type3A_18, %reduce_sum3A_39 [0] : vector<128x64xf32> to vector<64xf32>
    %broadcast_in_dim3A_41 = vector.shape_cast %reduce_sum3A_40 : vector<64xf32> to vector<1x64xf32>
    %add3A_42 = arith.addf %convert_element_type3A_27, %broadcast_in_dim3A_41 : vector<1x64xf32>
    %convert_element_type3A_43 = arith.fptosi %add3A_42 : vector<1x64xf32> to vector<1x64xi32>
    %reshape3A_44 = vector.shape_cast %convert_element_type3A_43 : vector<1x64xi32> to vector<1x1x64xi32>
    %swap3A = arith.constant 0 : index
    %swap3A_45 = arith.constant 0 : index
    %swap3A_46 = arith.constant 0 : index
    %swap3A_47 = vector.load %arg6[%swap3A, %swap3A_45, %swap3A_46] : memref<1x1x64xi32, #tpu.memory_space<vmem>>, vector<1x1x64xi32>
    tpu.vector_store %arg6[%swap3A, %swap3A_45, %swap3A_46], %reshape3A_44 {strides = array<i32>} : memref<1x1x64xi32, #tpu.memory_space<vmem>>, vector<1x1x64xi32>,
    %lt3A = arith.constant 2.000000e-01 : f32
    %lt3A_48 = vector.broadcast %lt3A : f32 to vector<128x1xf32>
    %lt3A_49 = arith.cmpf olt, %div3A_11, %lt3A_48 : vector<128x1xf32>
    %lt3A_50 = arith.constant 40 : i32
    %lt3A_51 = vector.broadcast %lt3A_50 : i32 to vector<128x1xi32>
    %lt3A_52 = arith.cmpi slt, %convert_element_type3A_38, %lt3A_51 : vector<128x1xi32>
    %not3A = arith.constant dense<true> : vector<128x1xi1>
    %not3A_53 = arith.xori %lt3A_49, %not3A : vector<128x1xi1>
    %and3A = arith.andi %lt3A_52, %not3A_53 : vector<128x1xi1>
    %mul3A_54 = arith.constant 40 : i32
    %mul3A_55 = vector.broadcast %mul3A_54 : i32 to vector<128x1xi32>
    %mul3A_56 = arith.muli %broadcast_in_dim3A_15, %mul3A_55 : vector<128x1xi32>
    %add3A_57 = arith.addi %mul3A_56, %convert_element_type3A_38 : vector<128x1xi32>
    %jit3A_58 = arith.constant 2560 : i32
    %broadcast_in_dim3A_59 = vector.broadcast %jit3A_58 : i32 to vector<128x1xi32>
    %select_n3A_60 = arith.select %and3A, %add3A_57, %broadcast_in_dim3A_59 : vector<128x1xi1>, vector<128x1xi32>
    %swap3A_61 = arith.constant 0 : index
    %swap3A_62 = arith.constant 0 : index
    %swap3A_63 = vector.load %arg3[%swap3A_61, %swap3A_62] : memref<128x1xi32, #tpu.memory_space<vmem>>, vector<128x1xi32>
    tpu.vector_store %arg3[%swap3A_61, %swap3A_62], %select_n3A_60 {strides = array<i32>} : memref<128x1xi32, #tpu.memory_space<vmem>>, vector<128x1xi32>,
    %jit3A_64 = arith.constant 1.000000e+00 : f32
    %jit3A_65 = arith.constant 0.000000e+00 : f32
    %broadcast_in_dim3A_66 = vector.broadcast %jit3A_64 : f32 to vector<128x1xf32>
    %broadcast_in_dim3A_67 = vector.broadcast %jit3A_65 : f32 to vector<128x1xf32>
    %select_n3A_68 = arith.select %lt3A_49, %broadcast_in_dim3A_66, %broadcast_in_dim3A_67 : vector<128x1xi1>, vector<128x1xf32>
    %swap3A_69 = arith.constant 0 : index
    %swap3A_70 = arith.constant 0 : index
    %swap3A_71 = vector.load %arg4[%swap3A_69, %swap3A_70] : memref<128x1xf32, #tpu.memory_space<vmem>>, vector<128x1xf32>
    tpu.vector_store %arg4[%swap3A_69, %swap3A_70], %select_n3A_68 {strides = array<i32>} : memref<128x1xf32, #tpu.memory_space<vmem>>, vector<128x1xf32>,
    %jit3A_72 = arith.constant 0.000000e+00 : f32
    %broadcast_in_dim3A_73 = vector.broadcast %jit3A_72 : f32 to vector<128x1xf32>
    %select_n3A_74 = arith.select %and3A, %div3A_11, %broadcast_in_dim3A_73 : vector<128x1xi1>, vector<128x1xf32>
    %swap3A_75 = arith.constant 0 : index
    %swap3A_76 = arith.constant 0 : index
    %swap3A_77 = vector.load %arg5[%swap3A_75, %swap3A_76] : memref<128x1xf32, #tpu.memory_space<vmem>>, vector<128x1xf32>
    tpu.vector_store %arg5[%swap3A_75, %swap3A_76], %select_n3A_74 {strides = array<i32>} : memref<128x1xf32, #tpu.memory_space<vmem>>, vector<128x1xf32>,
    %iota3A_78 = tpu.iota {dimensions = array<i32: 0>} : vector<2x128xi32>
    %iota3A_79 = tpu.iota {dimensions = array<i32: 1>} : vector<2x128xi32>
    %jit3A_80 = arith.constant 64 : i32
    %div3A_81 = vector.broadcast %jit3A_80 : i32 to vector<2x128xi32>
    %div3A_82 = arith.divsi %iota3A_79, %div3A_81 : vector<2x128xi32>
    %sign3A = arith.constant 0 : i32
    %sign3A_83 = vector.broadcast %sign3A : i32 to vector<2x128xi32>
    %sign3A_84 = arith.cmpi sgt, %iota3A_79, %sign3A_83 : vector<2x128xi32>
    %sign3A_85 = arith.extui %sign3A_84 : vector<2x128xi1> to vector<2x128xi32>
    %sign3A_86 = arith.constant 0 : i32
    %sign3A_87 = vector.broadcast %sign3A_86 : i32 to vector<2x128xi32>
    %sign3A_88 = arith.cmpi slt, %iota3A_79, %sign3A_87 : vector<2x128xi32>
    %sign3A_89 = arith.extui %sign3A_88 : vector<2x128xi1> to vector<2x128xi32>
    %sign3A_90 = arith.subi %sign3A_85, %sign3A_89 : vector<2x128xi32>
    %sign3A_91 = arith.constant 0 : i32
    %sign3A_92 = arith.cmpi sgt, %jit3A_80, %sign3A_91 : i32
    %sign3A_93 = arith.extui %sign3A_92 : i1 to i32
    %sign3A_94 = arith.constant 0 : i32
    %sign3A_95 = arith.cmpi slt, %jit3A_80, %sign3A_94 : i32
    %sign3A_96 = arith.extui %sign3A_95 : i1 to i32
    %sign3A_97 = arith.subi %sign3A_93, %sign3A_96 : i32
    %ne3A = vector.broadcast %sign3A_97 : i32 to vector<2x128xi32>
    %ne3A_98 = arith.cmpi ne, %sign3A_90, %ne3A : vector<2x128xi32>
    %rem3A = vector.broadcast %jit3A_80 : i32 to vector<2x128xi32>
    %rem3A_99 = arith.remsi %iota3A_79, %rem3A : vector<2x128xi32>
    %ne3A_100 = arith.constant 0 : i32
    %ne3A_101 = vector.broadcast %ne3A_100 : i32 to vector<2x128xi32>
    %ne3A_102 = arith.cmpi ne, %rem3A_99, %ne3A_101 : vector<2x128xi32>
    %and3A_103 = arith.andi %ne3A_98, %ne3A_102 : vector<2x128xi1>
    %sub3A_104 = arith.constant 1 : i32
    %sub3A_105 = vector.broadcast %sub3A_104 : i32 to vector<2x128xi32>
    %sub3A_106 = arith.subi %div3A_82, %sub3A_105 : vector<2x128xi32>
    %select_n3A_107 = arith.select %and3A_103, %sub3A_106, %div3A_82 : vector<2x128xi1>, vector<2x128xi32>
    %eq3A_108 = arith.cmpi eq, %select_n3A_107, %iota3A_78 : vector<2x128xi32>
    %convert_element_type3A_109 = arith.extui %eq3A_108 : vector<2x128xi1> to vector<2x128xi32>
    %convert_element_type3A_110 = arith.sitofp %convert_element_type3A_109 : vector<2x128xi32> to vector<2x128xf32>
    %convert_element_type3A_111 = arith.extui %and3A : vector<128x1xi1> to vector<128x1xi32>
    %convert_element_type3A_112 = arith.sitofp %convert_element_type3A_111 : vector<128x1xi32> to vector<128x1xf32>
    %jit3A_113 = arith.constant 1.000000e+00 : f32
    %jit3A_114 = arith.constant 0.000000e+00 : f32
    %broadcast_in_dim3A_115 = vector.broadcast %jit3A_113 : f32 to vector<128x1xf32>
    %broadcast_in_dim3A_116 = vector.broadcast %jit3A_114 : f32 to vector<128x1xf32>
    %select_n3A_117 = arith.select %lt3A_49, %broadcast_in_dim3A_115, %broadcast_in_dim3A_116 : vector<128x1xi1>, vector<128x1xf32>
    %sub3A_118 = arith.constant 1.000000e+00 : f32
    %sub3A_119 = vector.broadcast %sub3A_118 : f32 to vector<128x1xf32>
    %sub3A_120 = arith.subf %sub3A_119, %select_n3A_117 : vector<128x1xf32>
    %dot_general3A_121 = arith.constant dense<0.000000e+00> : vector<2x1xf32>
    %dot_general3A_122 = tpu.matmul %convert_element_type3A_110, %convert_element_type3A_112, %dot_general3A_121 {dimension_numbers = #tpu.dot_dimension_numbers<[1], [0], [0], [1], [0, 0, 1, 1], [], []>, transpose_lhs_hint = false} : vector<2x128xf32>, vector<128x1xf32>, vector<2x1xf32> -> vector<2x1xf32>
    %convert_element_type3A_123 = arith.fptosi %dot_general3A_122 : vector<2x1xf32> to vector<2x1xi32>
    %dot_general3A_124 = arith.constant dense<0.000000e+00> : vector<2x1xf32>
    %dot_general3A_125 = tpu.matmul %convert_element_type3A_110, %sub3A_120, %dot_general3A_124 {dimension_numbers = #tpu.dot_dimension_numbers<[1], [0], [0], [1], [0, 0, 1, 1], [], []>, transpose_lhs_hint = false} : vector<2x128xf32>, vector<128x1xf32>, vector<2x1xf32> -> vector<2x1xf32>
    %convert_element_type3A_126 = arith.fptosi %dot_general3A_125 : vector<2x1xf32> to vector<2x1xi32>
    %broadcast_in_dim3A_127 = vector.shape_cast %convert_element_type3A_123 : vector<2x1xi32> to vector<2x1xi32>
    %broadcast_in_dim3A_128 = vector.broadcast %broadcast_in_dim3A_127 : vector<2x1xi32> to vector<2x16xi32>
    %reshape3A_129 = vector.shape_cast %broadcast_in_dim3A_128 : vector<2x16xi32> to vector<1x2x16xi32>
    %swap3A_130 = arith.constant 0 : index
    %swap3A_131 = arith.constant 0 : index
    %swap3A_132 = arith.constant 0 : index
    %swap3A_133 = vector.load %arg8[%swap3A_130, %swap3A_131, %swap3A_132] : memref<1x2x16xi32, #tpu.memory_space<vmem>>, vector<1x2x16xi32>
    tpu.vector_store %arg8[%swap3A_130, %swap3A_131, %swap3A_132], %reshape3A_129 {strides = array<i32>} : memref<1x2x16xi32, #tpu.memory_space<vmem>>, vector<1x2x16xi32>,
    %broadcast_in_dim3A_134 = vector.shape_cast %convert_element_type3A_126 : vector<2x1xi32> to vector<2x1xi32>
    %broadcast_in_dim3A_135 = vector.broadcast %broadcast_in_dim3A_134 : vector<2x1xi32> to vector<2x16xi32>
    %reshape3A_136 = vector.shape_cast %broadcast_in_dim3A_135 : vector<2x16xi32> to vector<1x2x16xi32>
    %swap3A_137 = arith.constant 0 : index
    %swap3A_138 = arith.constant 0 : index
    %swap3A_139 = arith.constant 0 : index
    %swap3A_140 = vector.load %arg9[%swap3A_137, %swap3A_138, %swap3A_139] : memref<1x2x16xi32, #tpu.memory_space<vmem>>, vector<1x2x16xi32>
    tpu.vector_store %arg9[%swap3A_137, %swap3A_138, %swap3A_139], %reshape3A_136 {strides = array<i32>} : memref<1x2x16xi32, #tpu.memory_space<vmem>>, vector<1x2x16xi32>,
    %convert_element_type3A_141 = arith.extui %and3A : vector<128x1xi1> to vector<128x1xi32>
    %convert_element_type3A_142 = arith.sitofp %convert_element_type3A_141 : vector<128x1xi32> to vector<128x1xf32>
    %mul3A_143 = vector.broadcast %convert_element_type3A_142 : vector<128x1xf32> to vector<128x64xf32>
    %mul3A_144 = arith.mulf %convert_element_type3A_18, %mul3A_143 : vector<128x64xf32>
    %get3A_145 = arith.constant 0 : index
    %get3A_146 = arith.constant 0 : index
    %get3A_147 = arith.constant 0 : index
    %get3A_148 = vector.load %arg7[%get3A_145, %get3A_146, %get3A_147] : memref<1x1x64xi32, #tpu.memory_space<vmem>>, vector<1x1x64xi32>
    %reshape3A_149 = vector.shape_cast %get3A_148 : vector<1x1x64xi32> to vector<1x64xi32>
    %convert_element_type3A_150 = arith.sitofp %reshape3A_149 : vector<1x64xi32> to vector<1x64xf32>
    %reduce_sum3A_151 = arith.constant dense<0.000000e+00> : vector<64xf32>
    %reduce_sum3A_152 = vector.multi_reduction <add>, %mul3A_144, %reduce_sum3A_151 [0] : vector<128x64xf32> to vector<64xf32>
    %broadcast_in_dim3A_153 = vector.shape_cast %reduce_sum3A_152 : vector<64xf32> to vector<1x64xf32>
    %add3A_154 = arith.addf %convert_element_type3A_150, %broadcast_in_dim3A_153 : vector<1x64xf32>
    %convert_element_type3A_155 = arith.fptosi %add3A_154 : vector<1x64xf32> to vector<1x64xi32>
    %reshape3A_156 = vector.shape_cast %convert_element_type3A_155 : vector<1x64xi32> to vector<1x1x64xi32>
    %swap3A_157 = arith.constant 0 : index
    %swap3A_158 = arith.constant 0 : index
    %swap3A_159 = arith.constant 0 : index
    %swap3A_160 = vector.load %arg7[%swap3A_157, %swap3A_158, %swap3A_159] : memref<1x1x64xi32, #tpu.memory_space<vmem>>, vector<1x1x64xi32>
    tpu.vector_store %arg7[%swap3A_157, %swap3A_158, %swap3A_159], %reshape3A_156 {strides = array<i32>} : memref<1x1x64xi32, #tpu.memory_space<vmem>>, vector<1x1x64xi32>,
    %eq3A_161 = arith.constant 15 : i32
    %eq3A_162 = arith.cmpi eq, %arg0, %eq3A_161 : i32
    %convert_element_type3A_163 = arith.extui %eq3A_162 : i1 to i32
    %cond3A_164 = arith.constant 0 : i32
    %cond3A_165 = arith.cmpi ne, %convert_element_type3A_163, %cond3A_164 : i32
    scf.if %cond3A_165 {
      %gt3A_166 = arith.constant 0.000000e+00 : f32
      %gt3A_167 = vector.broadcast %gt3A_166 : f32 to vector<1x64xf32>
      %gt3A_168 = arith.cmpf ogt, %add3A_154, %gt3A_167 : vector<1x64xf32>
      %iota3A_169 = tpu.iota {dimensions = array<i32: 1>} : vector<1x64xi32>
      %jit3A_170 = arith.constant 0 : i32
      %broadcast_in_dim3A_171 = vector.broadcast %jit3A_170 : i32 to vector<1x64xi32>
      %select_n3A_172 = arith.select %gt3A_168, %iota3A_169, %broadcast_in_dim3A_171 : vector<1x64xi1>, vector<1x64xi32>
      %reduce_max3A_173 = arith.constant dense<-2147483648> : vector<1xi32>
      %reduce_max3A_174 = vector.multi_reduction <maxsi>, %select_n3A_172, %reduce_max3A_173 [1] : vector<1x64xi32> to vector<1xi32>
      %broadcast_in_dim3A_175 = vector.shape_cast %reduce_max3A_174 : vector<1xi32> to vector<1x1xi32>
      %iota3A_176 = tpu.iota {dimensions = array<i32: 0>} : vector<128x64xi32>
      %iota3A_177 = tpu.iota {dimensions = array<i32: 1>} : vector<128x64xi32>
      %broadcast_in_dim3A_178 = vector.shape_cast %gt3A_168 : vector<1x64xi1> to vector<1x64xi1>
      %broadcast_in_dim3A_179 = vector.broadcast %broadcast_in_dim3A_178 : vector<1x64xi1> to vector<128x64xi1>
      %ge3A = arith.cmpi sge, %iota3A_177, %iota3A_176 : vector<128x64xi32>
      %and3A_180 = arith.andi %ge3A, %broadcast_in_dim3A_179 : vector<128x64xi1>
      %jit3A_181 = arith.constant 64 : i32
      %broadcast_in_dim3A_182 = vector.broadcast %jit3A_181 : i32 to vector<128x64xi32>
      %select_n3A_183 = arith.select %and3A_180, %iota3A_177, %broadcast_in_dim3A_182 : vector<128x64xi1>, vector<128x64xi32>
      %reduce_min3A_184 = arith.constant dense<2147483647> : vector<128xi32>
      %reduce_min3A_185 = vector.multi_reduction <minsi>, %select_n3A_183, %reduce_min3A_184 [1] : vector<128x64xi32> to vector<128xi32>
      %broadcast_in_dim3A_186 = vector.shape_cast %reduce_min3A_185 : vector<128xi32> to vector<128x1xi32>
      %eq3A_187 = arith.constant 64 : i32
      %eq3A_188 = vector.broadcast %eq3A_187 : i32 to vector<128x1xi32>
      %eq3A_189 = arith.cmpi eq, %broadcast_in_dim3A_186, %eq3A_188 : vector<128x1xi32>
      %broadcast_in_dim3A_190 = vector.shape_cast %broadcast_in_dim3A_175 : vector<1x1xi32> to vector<1x1xi32>
      %broadcast_in_dim3A_191 = vector.broadcast %broadcast_in_dim3A_190 : vector<1x1xi32> to vector<128x1xi32>
      %select_n3A_192 = arith.select %eq3A_189, %broadcast_in_dim3A_191, %broadcast_in_dim3A_186 : vector<128x1xi1>, vector<128x1xi32>
      %eq3A_193 = arith.cmpi eq, %iota3A_177, %iota3A_176 : vector<128x64xi32>
      %convert_element_type3A_194 = arith.extui %broadcast_in_dim3A_179 : vector<128x64xi1> to vector<128x64xi32>
      %jit3A_195 = arith.constant 0 : i32
      %broadcast_in_dim3A_196 = vector.broadcast %jit3A_195 : i32 to vector<128x64xi32>
      %select_n3A_197 = arith.select %eq3A_193, %convert_element_type3A_194, %broadcast_in_dim3A_196 : vector<128x64xi1>, vector<128x64xi32>
      %reduce_sum3A_198 = arith.constant dense<0> : vector<128xi32>
      %reduce_sum3A_199 = vector.multi_reduction <add>, %select_n3A_197, %reduce_sum3A_198 [1] : vector<128x64xi32> to vector<128xi32>
      %broadcast_in_dim3A_200 = vector.shape_cast %reduce_sum3A_199 : vector<128xi32> to vector<128x1xi32>
      %concatenate3A = tpu.concatenate %select_n3A_192, %broadcast_in_dim3A_200 in 1 : vector<128x1xi32>, vector<128x1xi32> -> vector<128x2xi32>
      %swap3A_201 = arith.constant 0 : index
      %swap3A_202 = arith.constant 0 : index
      %swap3A_203 = vector.load %arg10[%swap3A_201, %swap3A_202] : memref<128x2xi32, #tpu.memory_space<vmem>>, vector<128x2xi32>
      tpu.vector_store %arg10[%swap3A_201, %swap3A_202], %concatenate3A {strides = array<i32>} : memref<128x2xi32, #tpu.memory_space<vmem>>, vector<128x2xi32>,
    } else {
    }
    return
  }
  func.func @transform_0(%arg0: i32) -> (i32, i32) {
    %c0_i32 = arith.constant 0 : i32
    %c0_i32_0 = arith.constant 0 : i32
    return %arg0, %c0_i32 : i32, i32
  }
  func.func @transform_1(%arg0: i32) -> (i32, i32) {
    %c0_i32 = arith.constant 0 : i32
    %c0_i32_0 = arith.constant 0 : i32
    %c0_i32_1 = arith.constant 0 : i32
    return %c0_i32, %c0_i32_0 : i32, i32
  }
  func.func @transform_2(%arg0: i32) -> (i32, i32) {
    %c0_i32 = arith.constant 0 : i32
    %c0_i32_0 = arith.constant 0 : i32
    return %arg0, %c0_i32 : i32, i32
  }
  func.func @transform_3(%arg0: i32) -> (i32, i32) {
    %c0_i32 = arith.constant 0 : i32
    %c0_i32_0 = arith.constant 0 : i32
    return %arg0, %c0_i32 : i32, i32
  }
  func.func @transform_4(%arg0: i32) -> (i32, i32) {
    %c0_i32 = arith.constant 0 : i32
    %c0_i32_0 = arith.constant 0 : i32
    return %arg0, %c0_i32 : i32, i32
  }
  func.func @transform_5(%arg0: i32) -> (i32, i32, i32) {
    %c0_i32 = arith.constant 0 : i32
    %c0_i32_0 = arith.constant 0 : i32
    %c0_i32_1 = arith.constant 0 : i32
    %c0_i32_2 = arith.constant 0 : i32
    return %c0_i32, %c0_i32_0, %c0_i32_1 : i32, i32, i32
  }
  func.func @transform_6(%arg0: i32) -> (i32, i32, i32) {
    %c0_i32 = arith.constant 0 : i32
    %c0_i32_0 = arith.constant 0 : i32
    %c0_i32_1 = arith.constant 0 : i32
    %c0_i32_2 = arith.constant 0 : i32
    return %c0_i32, %c0_i32_0, %c0_i32_1 : i32, i32, i32
  }
  func.func @transform_7(%arg0: i32) -> (i32, i32, i32) {
    %c0_i32 = arith.constant 0 : i32
    %c0_i32_0 = arith.constant 0 : i32
    %c0_i32_1 = arith.constant 0 : i32
    return %arg0, %c0_i32, %c0_i32_0 : i32, i32, i32
  }
  func.func @transform_8(%arg0: i32) -> (i32, i32, i32) {
    %c0_i32 = arith.constant 0 : i32
    %c0_i32_0 = arith.constant 0 : i32
    %c0_i32_1 = arith.constant 0 : i32
    return %arg0, %c0_i32, %c0_i32_0 : i32, i32, i32
  }
  func.func @transform_9(%arg0: i32) -> (i32, i32) {
    %c0_i32 = arith.constant 0 : i32
    %c0_i32_0 = arith.constant 0 : i32
    %c0_i32_1 = arith.constant 0 : i32
    return %c0_i32, %c0_i32_0 : i32, i32
  }
}

module attributes {stable_mosaic.version = 14 : i64} {
  func.func @_mlp1_kernel(%arg0: memref<40x1024xf32, #tpu.memory_space<vmem>>, %arg1: memref<1024x704xf32, #tpu.memory_space<vmem>>, %arg2: memref<1024x704xf32, #tpu.memory_space<vmem>>, %arg3: memref<704x1024xf32, #tpu.memory_space<vmem>>, %arg4: memref<40x1024xf32, #tpu.memory_space<vmem>>) attributes {dimension_semantics = [], scalar_prefetch = 0 : i64, scratch_operands = 0 : i64, tpu.core_type = #tpu.core_type<tc>} {
    %get3A = arith.constant 0 : index
    %get3A_0 = arith.constant 0 : index
    %get3A_1 = vector.load %arg0[%get3A, %get3A_0] : memref<40x1024xf32, #tpu.memory_space<vmem>>, vector<40x1024xf32>
    %get3A_2 = arith.constant 0 : index
    %get3A_3 = arith.constant 0 : index
    %get3A_4 = vector.load %arg1[%get3A_2, %get3A_3] : memref<1024x704xf32, #tpu.memory_space<vmem>>, vector<1024x704xf32>
    %dot_general3A = arith.constant dense<0.000000e+00> : vector<40x704xf32>
    %dot_general3A_5 = tpu.matmul %get3A_1, %get3A_4, %dot_general3A {dimension_numbers = #tpu.dot_dimension_numbers<[1], [0], [0], [1], [0, 0, 1, 1], [], []>, transpose_lhs_hint = false} : vector<40x1024xf32>, vector<1024x704xf32>, vector<40x704xf32> -> vector<40x704xf32>
    %get3A_6 = arith.constant 0 : index
    %get3A_7 = arith.constant 0 : index
    %get3A_8 = vector.load %arg2[%get3A_6, %get3A_7] : memref<1024x704xf32, #tpu.memory_space<vmem>>, vector<1024x704xf32>
    %dot_general3A_9 = arith.constant dense<0.000000e+00> : vector<40x704xf32>
    %dot_general3A_10 = tpu.matmul %get3A_1, %get3A_8, %dot_general3A_9 {dimension_numbers = #tpu.dot_dimension_numbers<[1], [0], [0], [1], [0, 0, 1, 1], [], []>, transpose_lhs_hint = false} : vector<40x1024xf32>, vector<1024x704xf32>, vector<40x704xf32> -> vector<40x704xf32>
    %logistic3A = arith.negf %dot_general3A_5 : vector<40x704xf32>
    %logistic3A_11 = math.exp %logistic3A : vector<40x704xf32>
    %logistic3A_12 = arith.constant 1.000000e+00 : f32
    %logistic3A_13 = vector.broadcast %logistic3A_12 : f32 to vector<40x704xf32>
    %logistic3A_14 = arith.addf %logistic3A_13, %logistic3A_11 : vector<40x704xf32>
    %logistic3A_15 = arith.divf %logistic3A_13, %logistic3A_14 : vector<40x704xf32>
    %mul3A = arith.mulf %dot_general3A_5, %logistic3A_15 : vector<40x704xf32>
    %mul3A_16 = arith.mulf %mul3A, %dot_general3A_10 : vector<40x704xf32>
    %get3A_17 = arith.constant 0 : index
    %get3A_18 = arith.constant 0 : index
    %get3A_19 = vector.load %arg3[%get3A_17, %get3A_18] : memref<704x1024xf32, #tpu.memory_space<vmem>>, vector<704x1024xf32>
    %dot_general3A_20 = arith.constant dense<0.000000e+00> : vector<40x1024xf32>
    %dot_general3A_21 = tpu.matmul %mul3A_16, %get3A_19, %dot_general3A_20 {dimension_numbers = #tpu.dot_dimension_numbers<[1], [0], [0], [1], [0, 0, 1, 1], [], []>, transpose_lhs_hint = false} : vector<40x704xf32>, vector<704x1024xf32>, vector<40x1024xf32> -> vector<40x1024xf32>
    %swap3A = arith.constant 0 : index
    %swap3A_22 = arith.constant 0 : index
    %swap3A_23 = vector.load %arg4[%swap3A, %swap3A_22] : memref<40x1024xf32, #tpu.memory_space<vmem>>, vector<40x1024xf32>
    tpu.vector_store %arg4[%swap3A, %swap3A_22], %dot_general3A_21 {strides = array<i32>} : memref<40x1024xf32, #tpu.memory_space<vmem>>, vector<40x1024xf32>,
    return
  }
}

</mosaic_0001>

<sc_bundles>
// kernel: kernel.5.cloned.1.call-start
scs
__scs_entry_jumppad:
0x0: {  	(pc) =	sbr.rel $0x88, $3  }
0x1: {  	(tag) =	ssettag $0x0;
	lr =	simm.s32 $0x1  }
0x2: {  	[smem:$0x3F9C] =	sst lr;
	_ =	strace $0xD0000000  }
0x3: {  	_ = 	snop  }
0x4: {  	_ = 	snop  }
0x5: {  	_ = 	snop  }
0x6: {  	_ = 	snop  }
0x7: {  	_ = 	snop  }
__scs_overlays_trampoline_lowered:
0x8: {  	[smem:$0x3FAB] =	sst s0  }
0x9: {  	[smem:$0x3FAC] =	sst s1  }
0xa: {  	[smem:$0x3FAD] =	sst s2  }
0xb: {  	[smem:$0x3FAE] =	sst s3  }
0xc: {  	[smem:$0x3FAF] =	sst s4  }
0xd: {  	[smem:$0x3FB0] =	sst s5  }
0xe: {  	[smem:$0x3FB1] =	sst s6  }
0xf: {  	[smem:$0x3FB2] =	sst s7  }
0x10: {  	[smem:$0x3FB3] =	sst s8  }
0x11: {  	[smem:$0x3FB4] =	sst s9;
	s0 =	simm.s32 @!p0 $0x0  }
0x12: {  	s1 =	sld [smem:$0x3F9A];
	s0 =	simm.s32 @p0 $0x1  }
0x13: {  	[smem:$0x3FB5] =	sst s0;
	s0 =	simm.s32 @!p1 $0x0  }
0x14: {  	s2 =	sld [smem:$0x3F99];
	s0 =	simm.s32 @p1 $0x1  }
0x15: {  	[smem:$0x3FB6] =	sst s0;
	s0 =	simm.s32 @!p2 $0x0  }
0x16: {  	s3 =	sld [smem:$0x3FDB];
	s0 =	simm.s32 @p2 $0x1  }
0x17: {  	s4 =	simm.s32 $0x1BF5;
	[smem:$0x3FB8] =	sst s0  }
0x18: {  	s0 =	sld [smem:$0x3F9B];
	_ =	swait.ge [sflag:s4], $0x0  }
0x19: {  	s7 =	sld [smem:$0x3F9C]  }
0x1a: {  	s8 =	sadd.s32 $0xFFFFE003, lr  }
0x1b: {  	s9 =	sadd.s32 $0xFFFFFEF7, lr;
	s5 =	simm.s32 $0xFFFFFFFF;
	p2 =	slt.u32 s8, $0xFFFFF086  }
0x1c: {  	p1 =	slt.u32 s9, $0xF7A;
	s5 =	simm.s32 @!p2 $0x0  }
0x1d: {  	s5 =	simm.s32 @p1 $0x1;
	p0 =	seq.s32 s7, s2  }
0x1e: {  	s7 =	smul.u32 @!p0 $0xF7A, s2;
	p2 =	seq.s32 @!p0 s5, $0x0  }
0x1f: {  	s9 =	smul.u32 $0xF7A, s1;
	s8 =	simm.s32 @!p0 $0x1BF5;
	p2 =	por !p2, p0  }
0x20: {  	[sflag:s8] =	ssyncset.s32 @!p0 $0xFFFFF086;
	s6 =	sadd.s32 @!p0 s3, s7;
	s7 =	simm.s32 @!p0 $0x108  }
0x21: {  	s3 =	sadd.s32 s3, s9;
	s6 =	sadd.s32 @!p0 $0x88, s6;
	s7 =	simm.s32 @p2 $0x1082  }
0x22: {  	[simem:s7], [sflag:s8] =	dma.local @!p0 [hbm:s6], $0xF7A  }
0x23: {  	s9 =	sor.u32 $0xD0000000, s2;
	s6 =	simm.s32 $0x108;
	_ =	swait.ge @!p0 [sflag:s8], $0x0  }
0x24: {  	s3 =	sadd.s32 $0x88, s3;
	s6 =	simm.s32 @!p1 $0x1082;
	[sflag:s4] =	ssyncset.s32 $0xFFFFF086  }
0x25: {  	[simem:s6], [sflag:s4] =	dma.local [hbm:s3], $0xF7A  }
0x26: {  	[smem:$0x3F9C] =	sst s1;
	(tag) =	ssettag s2;
	_ =	strace s9  }
0x27: {  	s1 =	sld [smem:$0x3FAC]  }
0x28: {  	s2 =	sld [smem:$0x3FAD]  }
0x29: {  	s4 =	sld [smem:$0x3FAF]  }
0x2a: {  	p0 =	seq.s32 s5, $0x0;
	s5 =	sld [smem:$0x3FB0]  }
0x2b: {  	s6 =	sld [smem:$0x3FB1]  }
0x2c: {  	s7 =	sld [smem:$0x3FB2]  }
0x2d: {  	s3 =	simm.s32 $0x108;
	s8 =	sld [smem:$0x3FB3]  }
0x2e: {  	s3 =	simm.s32 @!p0 $0x1082;
	s9 =	sld [smem:$0x3FB4]  }
0x2f: {  	lr =	sadd.s32 s0, s3;
	s0 =	sld [smem:$0x3FAB]  }
0x30: {  	s3 =	sld [smem:$0x3FAE]  }
0x31: {  	[smem:$0x3FB7] =	sst s10  }
0x32: {  	s10 =	sld [smem:$0x3FB5];
	_ =	sdelay $0x3  }
0x33: {  	p0 =	seq.s32 s10, $0x1;
	s10 =	sld [smem:$0x3FB7];
	_ =	sdelay $0x3  }
0x34: {  	[smem:$0x3FB7] =	sst s10  }
0x35: {  	s10 =	sld [smem:$0x3FB6];
	_ =	sdelay $0x3  }
0x36: {  	p1 =	seq.s32 s10, $0x1;
	s10 =	sld [smem:$0x3FB7];
	_ =	sdelay $0x3  }
0x37: {  	[smem:$0x3FB7] =	sst s10  }
0x38: {  	s10 =	sld [smem:$0x3FB8]  }
0x39: {  	_ = 	snop;
	(pc) =	sbr.ind lr, $3  }
0x3a: {  	_ = 	snop  }
0x3b: {  	_ = 	snop  }
0x3c: {  	p2 =	seq.s32 s10, $0x1;
	s10 =	sld [smem:$0x3FB7]  }
0x3d: {  	_ =	shalt  }
0x3e: {  	_ =	shalt  }
0x3f: {  	_ =	shalt  }
0x40: {  	_ =	shalt  }
0x41: {  	_ =	shalt  }
0x42: {  	_ =	shalt  }
0x43: {  	_ =	shalt  }
0x44: {  	_ =	shalt  }
0x45: {  	_ =	shalt  }
0x46: {  	_ =	shalt  }
0x47: {  	_ =	shalt  }
0x48: {  	_ =	shalt  }
0x49: {  	_ =	shalt  }
0x4a: {  	_ =	shalt  }
0x4b: {  	_ =	shalt  }
0x4c: {  	_ =	shalt  }
0x4d: {  	_ =	shalt  }
0x4e: {  	_ =	shalt  }
0x4f: {  	_ =	shalt  }
0x50: {  	_ =	shalt  }
0x51: {  	_ =	shalt  }
0x52: {  	_ =	shalt  }
0x53: {  	_ =	shalt  }
0x54: {  	_ =	shalt  }
0x55: {  	_ =	shalt  }
0x56: {  	_ =	shalt  }
0x57: {  	_ =	shalt  }
0x58: {  	_ =	shalt  }
0x59: {  	_ =	shalt  }
0x5a: {  	_ =	shalt  }
0x5b: {  	_ =	shalt  }
0x5c: {  	_ =	shalt  }
0x5d: {  	_ =	shalt  }
0x5e: {  	_ =	shalt  }
0x5f: {  	_ =	shalt  }
0x60: {  	_ =	shalt  }
0x61: {  	_ =	shalt  }
0x62: {  	_ =	shalt  }
0x63: {  	_ =	shalt  }
0x64: {  	_ =	shalt  }
0x65: {  	_ =	shalt  }
0x66: {  	_ =	shalt  }
0x67: {  	_ =	shalt  }
0x68: {  	_ =	shalt  }
0x69: {  	_ =	shalt  }
0x6a: {  	_ =	shalt  }
0x6b: {  	_ =	shalt  }
0x6c: {  	_ =	shalt  }
0x6d: {  	_ =	shalt  }
0x6e: {  	_ =	shalt  }
0x6f: {  	_ =	shalt  }
0x70: {  	_ =	shalt  }
0x71: {  	_ =	shalt  }
0x72: {  	_ =	shalt  }
0x73: {  	_ =	shalt  }
0x74: {  	_ =	shalt  }
0x75: {  	_ =	shalt  }
0x76: {  	_ =	shalt  }
0x77: {  	_ =	shalt  }
0x78: {  	_ =	shalt  }
0x79: {  	_ =	shalt  }
0x7a: {  	_ =	shalt  }
0x7b: {  	_ =	shalt  }
0x7c: {  	_ =	shalt  }
0x7d: {  	_ =	shalt  }
0x7e: {  	_ =	shalt  }
0x7f: {  	_ =	shalt  }
0x80: {  	_ =	shalt  }
0x81: {  	_ =	shalt  }
0x82: {  	_ =	shalt  }
0x83: {  	_ =	shalt  }
0x84: {  	_ =	shalt  }
0x85: {  	_ =	shalt  }
0x86: {  	_ =	shalt  }
0x87: {  	_ =	shalt  }
.Lfunc_end0:
.L_simem_size_0:
called_computation_lowered:
.L_overlay_start_0:
0x88: {  	s2 =	sld [smem:$0x3FD9]  }
0x89: {  	s3 =	sld [smem:$0x3FFE];
	_ =	sdelay $0x1  }
0x8a: {  	s1 =	srdreg.scid  }
0x8b: {  	s0 =	sand.u32 $0x1, s1  }
0x8c: {  	s17 =	sshll.u32 s0, $0xA;
	s2 =	sadd.s32 s3, s2  }
0x8d: {  	s2 =	sadd.s32 s2, s17  }
0x8e: {  	[smem:$0x3FC3] =	sst s2  }
0x8f: {  	_ = 	snop  }
0x90: {  	s2 =	sld [smem:$0x3FC9]  }
0x91: {  	s18 =	sld [smem:$0x3FD0];
	(tm) =	ssettm $0x1  }
0x92: {  	s4 =	sld [smem:$0x3FFB];
	_ =	sdelay $0x3  }
0x93: {  	_ =	strace s4  }
0x94: {  	s4 =	sld [smem:$0x3FFC];
	_ =	sdelay $0x3  }
0x95: {  	_ =	strace s4  }
0x96: {  	s4 =	sld [smem:$0x3FFD];
	_ =	sdelay $0x3  }
0x97: {  	_ =	strace s4  }
0x98: {  	_ =	strace $0x8FFFFFFF  }
0x99: {  	s19 =	sld [smem:$0x3FDB];
	_ =	sdelay $0x1  }
0x9a: {  	s5 =	simm.s32 $_scs_section_size  }
0x9b: {  	s6 =	simm.s32 $_size__tile_overlayer_lowered;
	s7 =	simm.s32 $_tile_overlayer_lowered  }
0x9c: {  	s22 =	simm.s32 $0x1BFF;
	s21 =	sshll.u32 s7, $0x1;
	s4 =	sadd.s32 s5, s19  }
0x9d: {  	s8 =	simm.s32 $0x0;
	s20 =	sshll.u32 s6, $0x1;
	s6 =	sadd.s32 s21, s4  }
0x9e: {  	[timem:s8], [sflag:s22] =	dma.local [hbm:s6], s20  }
0x9f: {  	_ =	swait.ge [sflag:s22], s20  }
0xa0: {  	s5 =	ssub.s32 $0x0, s20;
	[sflag:s22] =	ssyncset.done $0x0  }
0xa1: {  	[sflag:s22] =	ssyncadd.s32 s5;
	_ =	sdelay $0x1  }
0xa2: {  	s23 =	simm.s32 $0x1B8B  }
0xa3: {  	_ =	swait.ge [sflag:s23], $0x1  }
0xa4: {  	[sflag:s23] =	ssyncset.done $0x0  }
0xa5: {  	s25 =	simm.s32 $0x1B8E;
	s24 =	sld [smem:$0x3FFE];
	[sflag:s23] =	ssyncadd.s32 $0xFFFFFFFF  }
0xa6: {  	s26 =	simm.s32 $execute0_lowered;
	[smem:$0x3FD2] =	sst s25  }
0xa7: {  	s6 =	sshll.u32 s26, $0x1;
	_ =	strace $0x80000046;
	[dreg:$0x1] =	wrdreg $0xFFFFFFFF  }
0xa8: {  	s28 =	simm.s32 $_size_execute0_lowered;
	s4 =	sadd.s32 s4, s6;
	[dreg:$0x0] =	wrdreg $0x0  }
0xa9: {  	s6 =	sshll.u32 s28, $0x1;
	[dreg:$0x2] =	wrdreg s4  }
0xaa: {  	[dreg:$0x3] =	wrdreg s6  }
0xab: {  	[dreg:$0x4] =	wrdreg $0xC0  }
0xac: {  	_ =	task [dreg:s8], $0x5FFFF  }
0xad: {  	[dreg:$0x1] =	wrdreg $0xFFFFFFFF  }
0xae: {  	[dreg:$0x0] =	wrdreg $0x60  }
0xaf: {  	[dreg:$0x2] =	wrdreg s2  }
0xb0: {  	[dreg:$0x3] =	wrdreg s24  }
0xb1: {  	[dreg:$0x4] =	wrdreg s18  }
0xb2: {  	[dreg:$0x5] =	wrdreg $0x9  }
0xb3: {  	_ =	task.clear_ibuf [dreg:s8], $0x6FFFF;
	_ =	strace $0x90000046  }
0xb4: {  	s29 =	simm.s32 $0x9;
	_ =	strace $0x80000048  }
0xb5: {  	_ =	swait.ge [sflag:s29], $0x1  }
0xb6: {  	[sflag:s29] =	ssyncadd.s32 $0xFFFFFFFF  }
0xb7: {  	_ =	strace $0x90000048  }
0xb8: {  	_ =	sfence  }
0xb9: {  	s30 =	sld [smem:$0x0];
	_ =	sdelay $0x2  }
0xba: {  	s31 =	sshll.u32 s1, $0xD;
	s1 =	sshrl.u32 s1, $0x2  }
0xbb: {  	s3 =	sand.u32 $0x4000, s31;
	s1 =	sadd.s32 s1, s30  }
0xbc: {  	s0 =	sor.u32 s3, s0;
	s1 =	sshll.u32 s1, $0x11  }
0xbd: {  	s0 =	sor.u32 s1, s0  }
0xbe: {  	s0 =	sadd.s32 $0x8F2B, s0  }
0xbf: {  	[sflag:s0] =	ssyncadd.remote.s32 $0x1  }
0xc0: {  	_ =	sfence.sel $0xFFFF  }
0xc1: {  	[dreg:$0x0] =	wrdreg $0xFFFFFFFF;
	(pc) =	sbr.abs _section_cstart, $3  }
0xc2: {  	[dreg:$0x1] =	wrdreg $0xFFFFFFFF  }
0xc3: {  	_ =	task.clear_ibuf [dreg:s8], $0x2FFFF;
	_ =	strace $0x9FFFFFFF  }
0xc4: {  	(tm) =	ssettm $0x7FFFFFFF  }
0xc5: {  	_ =	shalt  }
tec
execute0_lowered:
.L_overlay_start_1:
0x0: {  	(tag) =	ssettag $0x1  }
0x1: {  	s0 =	rddreg [dreg:$0x0]  }
0x2: {  	s1 =	rddreg [dreg:$0x1]  }
0x3: {  	s4 =	rddreg [dreg:$0x2];
	s3 =	srdreg.scid;
	s2 =	simm.s32 $0x0  }
0x4: {  	s25 =	stileid.u32;
	s11 =	simm.s32 $0x80;
	s12 =	simm.s32 $0x2  }
0x5: {  	s13 =	simm.s32 $0x100;
	s29 =	simm.s32 $0x7900;
	s30 =	simm.s32 $0x8100  }
0x6: {  	s31 =	simm.s32 $0x8900;
	s14 =	simm.s32 $0xA100;
	s15 =	simm.s32 $0xA900  }
0x7: {  	s16 =	simm.s32 $0xB100;
	s17 =	simm.s32 $0xB900;
	s18 =	simm.s32 $0xC100  }
0x8: {  	s19 =	simm.s32 $0xC900;
	s20 =	simm.s32 $0xD100;
	s21 =	simm.s32 $0xD900  }
0x9: {  	s22 =	simm.s32 $0xE100;
	s23 =	simm.s32 $0xE900;
	s24 =	simm.s32 $0xF100  }
0xa: {  	s5 =	sand.u32 $0x1, s3;
	[smem:$0x7FF] =	sst s2;
	s8 =	sshll.u32 s25, $0x1  }
0xb: {  	s3 =	sadd.s32 $0x200, s1;
	s9 =	sadd.s32 $0x500, s1;
	s25 =	simm.s32 $0xF900  }
0xc: {  	s6 =	ssub.s32 $0x2, s5;
	_ =	strace $0x80000047;
	s5 =	sor.u32 s5, s8  }
.Ltmp0:
0xd: {  	s7 =	sshrl.u32 s6, $0x1;
	s26 =	sshll.u32 s5, $0x1;
	(pc) =	sbr.rel .LBB2_1-.Ltmp0, $4  }
0xe: {  	s28 =	sshll.u32 s5, $0x3;
	s8 =	sshll.u32 s5, $0xD;
	s10 =	ssub.s32 s6, s7  }
0xf: {  	v2 =	vlaneseq.u32;
	s4 =	sadd.s32 s4, s26;
	s5 =	sadd.s32 s1, s28;
	s6 =	sadd.s32 s0, s8  }
0x10: {  	vm0 =	vmmov $0xffff;
	v1 =	vshrl.u32 v2, $0x3;
	s7 =	sadd.s32 $0x300, s1;
	s8 =	sadd.s32 $0x400, s1;
	s0 =	simm.s32 $0x9100  }
0x11: {  	v0 =	vand.u32 $0x7, v2;
	v2 =	vor.u32 $0x8, v2;
	v1 =	vmul.u32 $0x8, v1;
	s1 =	simm.s32 $0x9900;
	s26 =	simm.s32 $0x1;
	s10 =	smax.u32 s10, $0x1  }
.LBB2_3:
0x12: {  	s10 =	sadd.s32 $0xFFFFFFFF, s10  }
0x13: {  	p0 =	sne.s32 s10, $0x0  }
.Ltmp1:
0x14: {  	_ = 	snop;
	(pc) =	sbr.rel @!p0 .LBB2_4-.Ltmp1, $1  }
0x15: {  	_ =	sdelay $0x3  }
.LBB2_1:
0x16: {  	[tilespmem:s11], [sflag:$0x2] =	stream.linear.gather [hbm4b:s4+s2], $0x10, $0x38;
	[tilespmem:$0x10100] =	vst v63  }
0x17: {  	_ =	swait.ge [sflag:s12], $0x10  }
0x18: {  	[sflag:s12] =	ssyncset.done $0x0  }
0x19: {  	[sflag:s12] =	ssyncadd.s32 $0xFFFFFFF0  }
0x1a: {  	v3 =	vld [tilespmem:$0x80];
	_ =	sdelay $0x4  }
0x1b: {  	(v2sf) =	vpush v3, $0x0;
	_ =	sdelay $0xe  }
0x1c: {  	s28 =	spop (v2sf)  }
0x1d: {  	p0 =	slt.s32 s28, $0x1  }
.Ltmp2:
0x1e: {  	_ = 	snop;
	(pc) =	sbr.rel @p0 .LBB2_3-.Ltmp2, $1  }
0x1f: {  	_ =	sdelay $0x3  }
0x20: {  	[tilespmem:s2], [sflag:$0x2] =	stream.linear.gather [hbm4b:s5+s2], $0x40, $0x38;
	[tilespmem:$0x10100] =	vst v63  }
0x21: {  	_ =	swait.ge [sflag:s12], $0x40  }
0x22: {  	[sflag:s12] =	ssyncset.done $0x0  }
0x23: {  	[sflag:s12] =	ssyncadd.s32 $0xFFFFFFC0  }
0x24: {  	[tilespmem:s13], [sflag:$0x2] =	stream.linear.gather [hbm4b:s6+s2], $0x10000, $0x38;
	[tilespmem:$0x10100] =	vst v63  }
0x25: {  	_ =	swait.ge [sflag:s12], $0x10000  }
0x26: {  	[sflag:s12] =	ssyncset.done $0x0  }
0x27: {  	[sflag:s12] =	ssyncadd.s32 $0xFFFF0000  }
0x28: {  	v3 =	vld [tilespmem:$0x0];
	_ =	sdelay $0x4  }
0x29: {  	v4 =	vshll.u32 v3, $0x3  }
0x2a: {  	v3 =	vand.u32 $0x7, v3;
	v4 =	vand.u32 $0xFFFFFFC0, v4  }
0x2b: {  	v3 =	vor.u32 v3, v4  }
0x2c: {  	v4 =	vperm.xlane v3, v0;
	_ =	sdelay $0x1  }
0x2d: {  	v4 =	vadd.s32 v1, v4;
	_ =	sdelay $0x4  }
0x2e: {  	[hbm4b:s3+s2] =	stream.indirect_vreg.scatter [tilespmem:s13], [sflag:$0x1], $0x80, v4, vm0, $0xb8;
	[tilespmem:$0x10100] =	vst v63  }
0x2f: {  	s28 =	simm.s32 $0x900;
	v3 =	vperm.xlane v3, v2  }
0x30: {  	[hbm4b:s7+s2] =	stream.indirect_vreg.scatter [tilespmem:s28], [sflag:$0x1], $0x80, v4, vm0, $0xb8;
	[tilespmem:$0x10100] =	vst v63  }
0x31: {  	v3 =	vadd.s32 v1, v3;
	s28 =	simm.s32 $0x1100  }
0x32: {  	[hbm4b:s8+s2] =	stream.indirect_vreg.scatter [tilespmem:s28], [sflag:$0x1], $0x80, v4, vm0, $0xb8;
	[tilespmem:$0x10100] =	vst v63  }
0x33: {  	s28 =	simm.s32 $0x1900  }
0x34: {  	[hbm4b:s9+s2] =	stream.indirect_vreg.scatter [tilespmem:s28], [sflag:$0x1], $0x80, v4, vm0, $0xb8;
	[tilespmem:$0x10100] =	vst v63  }
0x35: {  	s28 =	simm.s32 $0x2100  }
0x36: {  	[hbm4b:s3+s2] =	stream.indirect_vreg.scatter [tilespmem:s28], [sflag:$0x1], $0x80, v3, vm0, $0xb8;
	[tilespmem:$0x10100] =	vst v63  }
0x37: {  	s28 =	simm.s32 $0x2900  }
0x38: {  	[hbm4b:s7+s2] =	stream.indirect_vreg.scatter [tilespmem:s28], [sflag:$0x1], $0x80, v3, vm0, $0xb8;
	[tilespmem:$0x10100] =	vst v63  }
0x39: {  	s28 =	simm.s32 $0x3100  }
0x3a: {  	[hbm4b:s8+s2] =	stream.indirect_vreg.scatter [tilespmem:s28], [sflag:$0x1], $0x80, v3, vm0, $0xb8;
	[tilespmem:$0x10100] =	vst v63  }
0x3b: {  	s28 =	simm.s32 $0x3900  }
0x3c: {  	[hbm4b:s9+s2] =	stream.indirect_vreg.scatter [tilespmem:s28], [sflag:$0x1], $0x80, v3, vm0, $0xb8;
	[tilespmem:$0x10100] =	vst v63  }
0x3d: {  	v3 =	vld [tilespmem:$0x10];
	_ =	sdelay $0x4  }
0x3e: {  	v61 =	vshll.u32 v3, $0x3  }
0x3f: {  	v3 =	vand.u32 $0x7, v3;
	v4 =	vand.u32 $0xFFFFFFC0, v61  }
0x40: {  	v3 =	vor.u32 v3, v4  }
0x41: {  	v4 =	vperm.xlane v3, v0;
	_ =	sdelay $0x1  }
0x42: {  	v4 =	vadd.s32 v1, v4;
	_ =	sdelay $0x3  }
0x43: {  	s28 =	simm.s32 $0x4100  }
0x44: {  	[hbm4b:s3+s2] =	stream.indirect_vreg.scatter [tilespmem:s28], [sflag:$0x1], $0x80, v4, vm0, $0xb8;
	[tilespmem:$0x10100] =	vst v63  }
0x45: {  	v3 =	vperm.xlane v3, v2;
	s28 =	simm.s32 $0x4900  }
0x46: {  	[hbm4b:s7+s2] =	stream.indirect_vreg.scatter [tilespmem:s28], [sflag:$0x1], $0x80, v4, vm0, $0xb8;
	[tilespmem:$0x10100] =	vst v63  }
0x47: {  	v3 =	vadd.s32 v1, v3;
	s28 =	simm.s32 $0x5100  }
0x48: {  	[hbm4b:s8+s2] =	stream.indirect_vreg.scatter [tilespmem:s28], [sflag:$0x1], $0x80, v4, vm0, $0xb8;
	[tilespmem:$0x10100] =	vst v63  }
0x49: {  	s28 =	simm.s32 $0x5900  }
0x4a: {  	[hbm4b:s9+s2] =	stream.indirect_vreg.scatter [tilespmem:s28], [sflag:$0x1], $0x80, v4, vm0, $0xb8;
	[tilespmem:$0x10100] =	vst v63  }
0x4b: {  	s28 =	simm.s32 $0x6100  }
0x4c: {  	[hbm4b:s3+s2] =	stream.indirect_vreg.scatter [tilespmem:s28], [sflag:$0x1], $0x80, v3, vm0, $0xb8;
	[tilespmem:$0x10100] =	vst v63  }
0x4d: {  	s28 =	simm.s32 $0x6900  }
0x4e: {  	[hbm4b:s7+s2] =	stream.indirect_vreg.scatter [tilespmem:s28], [sflag:$0x1], $0x80, v3, vm0, $0xb8;
	[tilespmem:$0x10100] =	vst v63  }
0x4f: {  	s28 =	simm.s32 $0x7100  }
0x50: {  	[hbm4b:s8+s2] =	stream.indirect_vreg.scatter [tilespmem:s28], [sflag:$0x1], $0x80, v3, vm0, $0xb8;
	[tilespmem:$0x10100] =	vst v63  }
0x51: {  	_ = 	snop  }
0x52: {  	[hbm4b:s9+s2] =	stream.indirect_vreg.scatter [tilespmem:s29], [sflag:$0x1], $0x80, v3, vm0, $0xb8;
	[tilespmem:$0x10100] =	vst v63  }
0x53: {  	v3 =	vld [tilespmem:$0x20];
	_ =	sdelay $0x4  }
0x54: {  	v62 =	vshll.u32 v3, $0x3  }
0x55: {  	v3 =	vand.u32 $0x7, v3;
	v4 =	vand.u32 $0xFFFFFFC0, v62  }
0x56: {  	v3 =	vor.u32 v3, v4  }
0x57: {  	v4 =	vperm.xlane v3, v0;
	_ =	sdelay $0x1  }
0x58: {  	v4 =	vadd.s32 v1, v4;
	_ =	sdelay $0x4  }
0x59: {  	[hbm4b:s3+s2] =	stream.indirect_vreg.scatter [tilespmem:s30], [sflag:$0x1], $0x80, v4, vm0, $0xb8;
	[tilespmem:$0x10100] =	vst v63  }
0x5a: {  	v3 =	vperm.xlane v3, v2  }
0x5b: {  	[hbm4b:s7+s2] =	stream.indirect_vreg.scatter [tilespmem:s31], [sflag:$0x1], $0x80, v4, vm0, $0xb8;
	[tilespmem:$0x10100] =	vst v63  }
0x5c: {  	v3 =	vadd.s32 v1, v3  }
0x5d: {  	[hbm4b:s8+s2] =	stream.indirect_vreg.scatter [tilespmem:s0], [sflag:$0x1], $0x80, v4, vm0, $0xb8;
	[tilespmem:$0x10100] =	vst v63  }
0x5e: {  	_ = 	snop  }
0x5f: {  	[hbm4b:s9+s2] =	stream.indirect_vreg.scatter [tilespmem:s1], [sflag:$0x1], $0x80, v4, vm0, $0xb8;
	[tilespmem:$0x10100] =	vst v63  }
0x60: {  	_ = 	snop  }
0x61: {  	[hbm4b:s3+s2] =	stream.indirect_vreg.scatter [tilespmem:s14], [sflag:$0x1], $0x80, v3, vm0, $0xb8;
	[tilespmem:$0x10100] =	vst v63  }
0x62: {  	_ = 	snop  }
0x63: {  	[hbm4b:s7+s2] =	stream.indirect_vreg.scatter [tilespmem:s15], [sflag:$0x1], $0x80, v3, vm0, $0xb8;
	[tilespmem:$0x10100] =	vst v63  }
0x64: {  	_ = 	snop  }
0x65: {  	[hbm4b:s8+s2] =	stream.indirect_vreg.scatter [tilespmem:s16], [sflag:$0x1], $0x80, v3, vm0, $0xb8;
	[tilespmem:$0x10100] =	vst v63  }
0x66: {  	_ = 	snop  }
0x67: {  	[hbm4b:s9+s2] =	stream.indirect_vreg.scatter [tilespmem:s17], [sflag:$0x1], $0x80, v3, vm0, $0xb8;
	[tilespmem:$0x10100] =	vst v63  }
0x68: {  	v3 =	vld [tilespmem:$0x30];
	_ =	sdelay $0x4  }
0x69: {  	v63 =	vshll.u32 v3, $0x3  }
0x6a: {  	v3 =	vand.u32 $0x7, v3;
	v4 =	vand.u32 $0xFFFFFFC0, v63  }
0x6b: {  	v3 =	vor.u32 v3, v4  }
0x6c: {  	v4 =	vperm.xlane v3, v0;
	_ =	sdelay $0x1  }
0x6d: {  	v4 =	vadd.s32 v1, v4;
	_ =	sdelay $0x4  }
0x6e: {  	[hbm4b:s3+s2] =	stream.indirect_vreg.scatter [tilespmem:s18], [sflag:$0x1], $0x80, v4, vm0, $0xb8;
	[tilespmem:$0x10100] =	vst v63  }
0x6f: {  	v3 =	vperm.xlane v3, v2  }
0x70: {  	[hbm4b:s7+s2] =	stream.indirect_vreg.scatter [tilespmem:s19], [sflag:$0x1], $0x80, v4, vm0, $0xb8;
	[tilespmem:$0x10100] =	vst v63  }
0x71: {  	v3 =	vadd.s32 v1, v3  }
0x72: {  	[hbm4b:s8+s2] =	stream.indirect_vreg.scatter [tilespmem:s20], [sflag:$0x1], $0x80, v4, vm0, $0xb8;
	[tilespmem:$0x10100] =	vst v63  }
0x73: {  	_ = 	snop  }
0x74: {  	[hbm4b:s9+s2] =	stream.indirect_vreg.scatter [tilespmem:s21], [sflag:$0x1], $0x80, v4, vm0, $0xb8;
	[tilespmem:$0x10100] =	vst v63  }
0x75: {  	_ = 	snop  }
0x76: {  	[hbm4b:s3+s2] =	stream.indirect_vreg.scatter [tilespmem:s22], [sflag:$0x1], $0x80, v3, vm0, $0xb8;
	[tilespmem:$0x10100] =	vst v63  }
0x77: {  	_ = 	snop  }
0x78: {  	[hbm4b:s7+s2] =	stream.indirect_vreg.scatter [tilespmem:s23], [sflag:$0x1], $0x80, v3, vm0, $0xb8;
	[tilespmem:$0x10100] =	vst v63  }
0x79: {  	_ = 	snop  }
0x7a: {  	[hbm4b:s8+s2] =	stream.indirect_vreg.scatter [tilespmem:s24], [sflag:$0x1], $0x80, v3, vm0, $0xb8;
	[tilespmem:$0x10100] =	vst v63  }
.Ltmp3:
0x7b: {  	_ = 	snop;
	(pc) =	sbr.rel .LBB2_3-.Ltmp3, $4  }
0x7c: {  	[hbm4b:s9+s2] =	stream.indirect_vreg.scatter [tilespmem:s25], [sflag:$0x1], $0x80, v3, vm0, $0xb8;
	[tilespmem:$0x10100] =	vst v63  }
0x7d: {  	_ =	swait.ge [sflag:s26], $0x10000  }
0x7e: {  	[sflag:s26] =	ssyncset.done $0x0  }
0x7f: {  	[sflag:s26] =	ssyncadd.s32 $0xFFFF0000  }
.LBB2_4:
0x80: {  	_ =	sfence.sel $0x180000  }
0x81: {  	[bflag:$0x0] =	sbarrier.arrive $0xFFFF  }
0x82: {  	_ =	strace $0x90000047  }
0x83: {  	s0 =	stileid.u32;
	[bflag:$0x2] =	sbarrier.arrive $0xFFFF  }
0x84: {  	p0 =	sne.s32 s0, $0x0;
	s0 =	rddreg [dreg:$0x3]  }
0x85: {  	s0 =	sadd.s32 @!p0 $0x100000, s0  }
0x86: {  	[sflag:s0] =	ssyncadd.tile.s32 @!p0 $0x1;
	_ =	shalt  }
.Lfunc_end2:
_tile_overlayer_lowered:
.L_overlay_start_2:
0x87: {  	(tag) =	ssettag $0x2  }
0x88: {  	s0 =	rddreg [dreg:$0x0];
	s2 =	stileid.u32  }
0x89: {  	s1 =	rddreg [dreg:$0x1];
	p0 =	sne.s32 s2, $0x0  }
0x8a: {  	s3 =	rddreg [dreg:$0x2];
	[bflag:$0x3] =	sbarrier.arrive $0xFFFF;
	s2 =	simm.s32 @!p0 $0x1C02  }
0x8b: {  	[timem:s3], [sflag:s2] =	dma.local @!p0 [hbm:s0], s1  }
0x8c: {  	s0 =	simm.s32 @!p0 $0x2  }
0x8d: {  	_ =	swait.ge @!p0 [sflag:s0], s1  }
0x8e: {  	s1 =	ssub.s32 @!p0 $0x0, s1;
	[sflag:s0] =	ssyncset.done @!p0 $0x0  }
0x8f: {  	[sflag:s0] =	ssyncadd.s32 @!p0 s1  }
0x90: {  	[bflag:$0x3] =	sbarrier.arrive $0xFFFF  }
0x91: {  	_ =	shalt  }

// kernel: kernel.8.cloned.1.call-start
scs
__scs_entry_jumppad:
0x0: {  	(pc) =	sbr.rel $0x88, $3  }
0x1: {  	(tag) =	ssettag $0x0;
	lr =	simm.s32 $0x1  }
0x2: {  	[smem:$0x3F9C] =	sst lr;
	_ =	strace $0xD0000000  }
0x3: {  	_ = 	snop  }
0x4: {  	_ = 	snop  }
0x5: {  	_ = 	snop  }
0x6: {  	_ = 	snop  }
0x7: {  	_ = 	snop  }
__scs_overlays_trampoline_lowered:
0x8: {  	[smem:$0x3FAB] =	sst s0  }
0x9: {  	[smem:$0x3FAC] =	sst s1  }
0xa: {  	[smem:$0x3FAD] =	sst s2  }
0xb: {  	[smem:$0x3FAE] =	sst s3  }
0xc: {  	[smem:$0x3FAF] =	sst s4  }
0xd: {  	[smem:$0x3FB0] =	sst s5  }
0xe: {  	[smem:$0x3FB1] =	sst s6  }
0xf: {  	[smem:$0x3FB2] =	sst s7  }
0x10: {  	[smem:$0x3FB3] =	sst s8  }
0x11: {  	[smem:$0x3FB4] =	sst s9;
	s0 =	simm.s32 @!p0 $0x0  }
0x12: {  	s1 =	sld [smem:$0x3F9A];
	s0 =	simm.s32 @p0 $0x1  }
0x13: {  	[smem:$0x3FB5] =	sst s0;
	s0 =	simm.s32 @!p1 $0x0  }
0x14: {  	s2 =	sld [smem:$0x3F99];
	s0 =	simm.s32 @p1 $0x1  }
0x15: {  	[smem:$0x3FB6] =	sst s0;
	s0 =	simm.s32 @!p2 $0x0  }
0x16: {  	s3 =	sld [smem:$0x3FDB];
	s0 =	simm.s32 @p2 $0x1  }
0x17: {  	s4 =	simm.s32 $0x1BF5;
	[smem:$0x3FB8] =	sst s0  }
0x18: {  	s0 =	sld [smem:$0x3F9B];
	_ =	swait.ge [sflag:s4], $0x0  }
0x19: {  	s7 =	sld [smem:$0x3F9C]  }
0x1a: {  	s8 =	sadd.s32 $0xFFFFE003, lr  }
0x1b: {  	s9 =	sadd.s32 $0xFFFFFEF7, lr;
	s5 =	simm.s32 $0xFFFFFFFF;
	p2 =	slt.u32 s8, $0xFFFFF086  }
0x1c: {  	p1 =	slt.u32 s9, $0xF7A;
	s5 =	simm.s32 @!p2 $0x0  }
0x1d: {  	s5 =	simm.s32 @p1 $0x1;
	p0 =	seq.s32 s7, s2  }
0x1e: {  	s7 =	smul.u32 @!p0 $0xF7A, s2;
	p2 =	seq.s32 @!p0 s5, $0x0  }
0x1f: {  	s9 =	smul.u32 $0xF7A, s1;
	s8 =	simm.s32 @!p0 $0x1BF5;
	p2 =	por !p2, p0  }
0x20: {  	[sflag:s8] =	ssyncset.s32 @!p0 $0xFFFFF086;
	s6 =	sadd.s32 @!p0 s3, s7;
	s7 =	simm.s32 @!p0 $0x108  }
0x21: {  	s3 =	sadd.s32 s3, s9;
	s6 =	sadd.s32 @!p0 $0x88, s6;
	s7 =	simm.s32 @p2 $0x1082  }
0x22: {  	[simem:s7], [sflag:s8] =	dma.local @!p0 [hbm:s6], $0xF7A  }
0x23: {  	s9 =	sor.u32 $0xD0000000, s2;
	s6 =	simm.s32 $0x108;
	_ =	swait.ge @!p0 [sflag:s8], $0x0  }
0x24: {  	s3 =	sadd.s32 $0x88, s3;
	s6 =	simm.s32 @!p1 $0x1082;
	[sflag:s4] =	ssyncset.s32 $0xFFFFF086  }
0x25: {  	[simem:s6], [sflag:s4] =	dma.local [hbm:s3], $0xF7A  }
0x26: {  	[smem:$0x3F9C] =	sst s1;
	(tag) =	ssettag s2;
	_ =	strace s9  }
0x27: {  	s1 =	sld [smem:$0x3FAC]  }
0x28: {  	s2 =	sld [smem:$0x3FAD]  }
0x29: {  	s4 =	sld [smem:$0x3FAF]  }
0x2a: {  	p0 =	seq.s32 s5, $0x0;
	s5 =	sld [smem:$0x3FB0]  }
0x2b: {  	s6 =	sld [smem:$0x3FB1]  }
0x2c: {  	s7 =	sld [smem:$0x3FB2]  }
0x2d: {  	s3 =	simm.s32 $0x108;
	s8 =	sld [smem:$0x3FB3]  }
0x2e: {  	s3 =	simm.s32 @!p0 $0x1082;
	s9 =	sld [smem:$0x3FB4]  }
0x2f: {  	lr =	sadd.s32 s0, s3;
	s0 =	sld [smem:$0x3FAB]  }
0x30: {  	s3 =	sld [smem:$0x3FAE]  }
0x31: {  	[smem:$0x3FB7] =	sst s10  }
0x32: {  	s10 =	sld [smem:$0x3FB5];
	_ =	sdelay $0x3  }
0x33: {  	p0 =	seq.s32 s10, $0x1;
	s10 =	sld [smem:$0x3FB7];
	_ =	sdelay $0x3  }
0x34: {  	[smem:$0x3FB7] =	sst s10  }
0x35: {  	s10 =	sld [smem:$0x3FB6];
	_ =	sdelay $0x3  }
0x36: {  	p1 =	seq.s32 s10, $0x1;
	s10 =	sld [smem:$0x3FB7];
	_ =	sdelay $0x3  }
0x37: {  	[smem:$0x3FB7] =	sst s10  }
0x38: {  	s10 =	sld [smem:$0x3FB8]  }
0x39: {  	_ = 	snop;
	(pc) =	sbr.ind lr, $3  }
0x3a: {  	_ = 	snop  }
0x3b: {  	_ = 	snop  }
0x3c: {  	p2 =	seq.s32 s10, $0x1;
	s10 =	sld [smem:$0x3FB7]  }
0x3d: {  	_ =	shalt  }
0x3e: {  	_ =	shalt  }
0x3f: {  	_ =	shalt  }
0x40: {  	_ =	shalt  }
0x41: {  	_ =	shalt  }
0x42: {  	_ =	shalt  }
0x43: {  	_ =	shalt  }
0x44: {  	_ =	shalt  }
0x45: {  	_ =	shalt  }
0x46: {  	_ =	shalt  }
0x47: {  	_ =	shalt  }
0x48: {  	_ =	shalt  }
0x49: {  	_ =	shalt  }
0x4a: {  	_ =	shalt  }
0x4b: {  	_ =	shalt  }
0x4c: {  	_ =	shalt  }
0x4d: {  	_ =	shalt  }
0x4e: {  	_ =	shalt  }
0x4f: {  	_ =	shalt  }
0x50: {  	_ =	shalt  }
0x51: {  	_ =	shalt  }
0x52: {  	_ =	shalt  }
0x53: {  	_ =	shalt  }
0x54: {  	_ =	shalt  }
0x55: {  	_ =	shalt  }
0x56: {  	_ =	shalt  }
0x57: {  	_ =	shalt  }
0x58: {  	_ =	shalt  }
0x59: {  	_ =	shalt  }
0x5a: {  	_ =	shalt  }
0x5b: {  	_ =	shalt  }
0x5c: {  	_ =	shalt  }
0x5d: {  	_ =	shalt  }
0x5e: {  	_ =	shalt  }
0x5f: {  	_ =	shalt  }
0x60: {  	_ =	shalt  }
0x61: {  	_ =	shalt  }
0x62: {  	_ =	shalt  }
0x63: {  	_ =	shalt  }
0x64: {  	_ =	shalt  }
0x65: {  	_ =	shalt  }
0x66: {  	_ =	shalt  }
0x67: {  	_ =	shalt  }
0x68: {  	_ =	shalt  }
0x69: {  	_ =	shalt  }
0x6a: {  	_ =	shalt  }
0x6b: {  	_ =	shalt  }
0x6c: {  	_ =	shalt  }
0x6d: {  	_ =	shalt  }
0x6e: {  	_ =	shalt  }
0x6f: {  	_ =	shalt  }
0x70: {  	_ =	shalt  }
0x71: {  	_ =	shalt  }
0x72: {  	_ =	shalt  }
0x73: {  	_ =	shalt  }
0x74: {  	_ =	shalt  }
0x75: {  	_ =	shalt  }
0x76: {  	_ =	shalt  }
0x77: {  	_ =	shalt  }
0x78: {  	_ =	shalt  }
0x79: {  	_ =	shalt  }
0x7a: {  	_ =	shalt  }
0x7b: {  	_ =	shalt  }
0x7c: {  	_ =	shalt  }
0x7d: {  	_ =	shalt  }
0x7e: {  	_ =	shalt  }
0x7f: {  	_ =	shalt  }
0x80: {  	_ =	shalt  }
0x81: {  	_ =	shalt  }
0x82: {  	_ =	shalt  }
0x83: {  	_ =	shalt  }
0x84: {  	_ =	shalt  }
0x85: {  	_ =	shalt  }
0x86: {  	_ =	shalt  }
0x87: {  	_ =	shalt  }
.Lfunc_end0:
.L_simem_size_0:
called_computation.1_lowered:
.L_overlay_start_0:
0x88: {  	s2 =	sld [smem:$0x3FD9]  }
0x89: {  	s3 =	sld [smem:$0x3FFE];
	_ =	sdelay $0x1  }
0x8a: {  	s1 =	srdreg.scid  }
0x8b: {  	s0 =	sand.u32 $0x1, s1  }
0x8c: {  	s17 =	sshll.u32 s0, $0xA;
	s2 =	sadd.s32 s3, s2  }
0x8d: {  	s2 =	sadd.s32 s2, s17  }
0x8e: {  	[smem:$0x3FC3] =	sst s2  }
0x8f: {  	_ = 	snop  }
0x90: {  	s2 =	sld [smem:$0x3FC9]  }
0x91: {  	s18 =	sld [smem:$0x3FD0];
	(tm) =	ssettm $0x1  }
0x92: {  	s4 =	sld [smem:$0x3FFB];
	_ =	sdelay $0x3  }
0x93: {  	_ =	strace s4  }
0x94: {  	s4 =	sld [smem:$0x3FFC];
	_ =	sdelay $0x3  }
0x95: {  	_ =	strace s4  }
0x96: {  	s4 =	sld [smem:$0x3FFD];
	_ =	sdelay $0x3  }
0x97: {  	_ =	strace s4  }
0x98: {  	_ =	strace $0x8FFFFFFF  }
0x99: {  	s19 =	sld [smem:$0x3FDB];
	_ =	sdelay $0x1  }
0x9a: {  	s5 =	simm.s32 $_scs_section_size  }
0x9b: {  	s6 =	simm.s32 $_size__tile_overlayer_lowered;
	s7 =	simm.s32 $_tile_overlayer_lowered  }
0x9c: {  	s22 =	simm.s32 $0x1BFF;
	s21 =	sshll.u32 s7, $0x1;
	s4 =	sadd.s32 s5, s19  }
0x9d: {  	s8 =	simm.s32 $0x0;
	s20 =	sshll.u32 s6, $0x1;
	s6 =	sadd.s32 s21, s4  }
0x9e: {  	[timem:s8], [sflag:s22] =	dma.local [hbm:s6], s20  }
0x9f: {  	_ =	swait.ge [sflag:s22], s20  }
0xa0: {  	s5 =	ssub.s32 $0x0, s20;
	[sflag:s22] =	ssyncset.done $0x0  }
0xa1: {  	[sflag:s22] =	ssyncadd.s32 s5;
	_ =	sdelay $0x1  }
0xa2: {  	s23 =	simm.s32 $0x1B8B  }
0xa3: {  	_ =	swait.ge [sflag:s23], $0x1  }
0xa4: {  	[sflag:s23] =	ssyncset.done $0x0  }
0xa5: {  	s25 =	simm.s32 $0x1B8E;
	s24 =	sld [smem:$0x3FFE];
	[sflag:s23] =	ssyncadd.s32 $0xFFFFFFFF  }
0xa6: {  	s26 =	simm.s32 $execute0_lowered;
	[smem:$0x3FD2] =	sst s25  }
0xa7: {  	s6 =	sshll.u32 s26, $0x1;
	_ =	strace $0x80000049;
	[dreg:$0x1] =	wrdreg $0xFFFFFFFF  }
0xa8: {  	s28 =	simm.s32 $_size_execute0_lowered;
	s4 =	sadd.s32 s4, s6;
	[dreg:$0x0] =	wrdreg $0x0  }
0xa9: {  	s6 =	sshll.u32 s28, $0x1;
	[dreg:$0x2] =	wrdreg s4  }
0xaa: {  	[dreg:$0x3] =	wrdreg s6  }
0xab: {  	[dreg:$0x4] =	wrdreg $0xC0  }
0xac: {  	_ =	task [dreg:s8], $0x5FFFF  }
0xad: {  	[dreg:$0x1] =	wrdreg $0xFFFFFFFF  }
0xae: {  	[dreg:$0x0] =	wrdreg $0x60  }
0xaf: {  	[dreg:$0x2] =	wrdreg s2  }
0xb0: {  	[dreg:$0x3] =	wrdreg s24  }
0xb1: {  	[dreg:$0x4] =	wrdreg s18  }
0xb2: {  	[dreg:$0x5] =	wrdreg $0x9  }
0xb3: {  	_ =	task.clear_ibuf [dreg:s8], $0x6FFFF;
	_ =	strace $0x90000049  }
0xb4: {  	s29 =	simm.s32 $0x9;
	_ =	strace $0x8000004B  }
0xb5: {  	_ =	swait.ge [sflag:s29], $0x1  }
0xb6: {  	[sflag:s29] =	ssyncadd.s32 $0xFFFFFFFF  }
0xb7: {  	_ =	strace $0x9000004B  }
0xb8: {  	_ =	sfence  }
0xb9: {  	s30 =	sld [smem:$0x0];
	_ =	sdelay $0x2  }
0xba: {  	s31 =	sshll.u32 s1, $0xD;
	s1 =	sshrl.u32 s1, $0x2  }
0xbb: {  	s3 =	sand.u32 $0x4000, s31;
	s1 =	sadd.s32 s1, s30  }
0xbc: {  	s0 =	sor.u32 s3, s0;
	s1 =	sshll.u32 s1, $0x11  }
0xbd: {  	s0 =	sor.u32 s1, s0  }
0xbe: {  	s0 =	sadd.s32 $0x8F2B, s0  }
0xbf: {  	[sflag:s0] =	ssyncadd.remote.s32 $0x1  }
0xc0: {  	_ =	sfence.sel $0xFFFF  }
0xc1: {  	[dreg:$0x0] =	wrdreg $0xFFFFFFFF;
	(pc) =	sbr.abs _section_cstart, $3  }
0xc2: {  	[dreg:$0x1] =	wrdreg $0xFFFFFFFF  }
0xc3: {  	_ =	task.clear_ibuf [dreg:s8], $0x2FFFF;
	_ =	strace $0x9FFFFFFF  }
0xc4: {  	(tm) =	ssettm $0x7FFFFFFF  }
0xc5: {  	_ =	shalt  }
tec
execute0_lowered:
.L_overlay_start_1:
0x0: {  	(tag) =	ssettag $0x1  }
0x1: {  	s4 =	rddreg [dreg:$0x0]  }
0x2: {  	s5 =	rddreg [dreg:$0x1]  }
0x3: {  	s9 =	rddreg [dreg:$0x2]  }
0x4: {  	s2 =	simm.s32 $0x0;
	s0 =	srdreg.scid;
	s1 =	stileid.u32  }
0x5: {  	s31 =	simm.s32 $0x0;
	s20 =	simm.s32 $0x2;
	s21 =	simm.s32 $0x200  }
0x6: {  	s22 =	simm.s32 $0x8200;
	s23 =	simm.s32 $0x1;
	s14 =	simm.s32 $0xC200  }
0x7: {  	s15 =	simm.s32 $0xCA00;
	s16 =	simm.s32 $0xD200;
	s17 =	simm.s32 $0xDA00  }
0x8: {  	s19 =	simm.s32 $0xE200;
	s18 =	simm.s32 $0xF200;
	[smem:$0x7FF] =	sst s2  }
0x9: {  	s0 =	sand.u32 $0x1, s0;
	s1 =	sshll.u32 s1, $0x1;
	s6 =	sadd.s32 $0x50800, s5  }
0xa: {  	s7 =	sadd.s32 $0x50A00, s5;
	s8 =	sadd.s32 $0x50E00, s5;
	s11 =	sadd.s32 $0x50F00, s5  }
0xb: {  	s12 =	sadd.s32 $0x51000, s5;
	s13 =	sadd.s32 $0x51100, s5;
	s1 =	sor.u32 s0, s1  }
0xc: {  	_ =	strace $0x8000004A;
	s0 =	ssub.s32 $0x2, s0;
	s25 =	sshll.u32 s1, $0x1  }
0xd: {  	s3 =	sshrl.u32 s0, $0x1;
	s10 =	sshll.u32 s1, $0x6;
	s1 =	sshll.u32 s1, $0xD  }
0xe: {  	s2 =	sadd.s32 s25, s5;
	s0 =	ssub.s32 s0, s3;
	s26 =	sadd.s32 s4, s1  }
0xf: {  	s28 =	sor.u32 $0x1000, s1;
	s1 =	sadd.s32 s9, s1;
	[dreg:$0x5] =	wrdreg s26  }
.Ltmp0:
0x10: {  	s2 =	sadd.s32 $0x50C00, s2;
	[dreg:$0x7] =	wrdreg s1;
	(pc) =	sbr.rel .LBB2_1-.Ltmp0, $4  }
0x11: {  	s3 =	simm.s32 $0xBA00;
	s29 =	sadd.s32 s4, s28;
	[dreg:$0x4] =	wrdreg s2  }
0x12: {  	v2 =	vlaneseq.u32;
	s30 =	sadd.s32 s9, s28;
	s0 =	smax.u32 s0, $0x1;
	[dreg:$0x6] =	wrdreg s29  }
0x13: {  	vm0 =	vmmov $0xffff;
	v1 =	vshrl.u32 v2, $0x3;
	s9 =	simm.s32 $0xEA00;
	s1 =	simm.s32 $0xFA00;
	[dreg:$0x8] =	wrdreg s30  }
0x14: {  	v0 =	vand.u32 $0x7, v2;
	v2 =	vor.u32 $0x8, v2;
	v1 =	vmul.u32 $0x8, v1;
	s4 =	simm.s32 $0x0;
	[dreg:$0x9] =	wrdreg s0;
	s0 =	simm.s32 $0xB200  }
.LBB2_2:
0x15: {  	s2 =	simm.s32 $0x0;
	s4 =	rddreg [dreg:$0x5]  }
0x16: {  	[tilespmem:s21], [sflag:$0x1] =	stream.linear.gather [hbm4b:s4+s2], $0x8000, $0x38;
	[tilespmem:$0x10200] =	vst v63  }
0x17: {  	s28 =	rddreg [dreg:$0x6]  }
0x18: {  	[tilespmem:s22], [sflag:$0x1] =	stream.linear.gather [hbm4b:s28+s2], $0x8000, $0x38;
	[tilespmem:$0x10200] =	vst v63  }
0x19: {  	_ =	swait.ge [sflag:s23], $0x8000  }
0x1a: {  	[sflag:s23] =	ssyncset.done $0x0  }
0x1b: {  	[sflag:s23] =	ssyncadd.s32 $0xFFFF8000  }
0x1c: {  	_ =	swait.ge [sflag:s23], $0x8000  }
0x1d: {  	[sflag:s23] =	ssyncset.done $0x0  }
0x1e: {  	s29 =	rddreg [dreg:$0x7];
	[sflag:s23] =	ssyncadd.s32 $0xFFFF8000  }
0x1f: {  	[hbm4b:s29+s2] =	stream.linear.scatter [tilespmem:s21], [sflag:$0x1], $0x8000, $0x38;
	[tilespmem:$0x10200] =	vst v63  }
0x20: {  	s30 =	rddreg [dreg:$0x8]  }
0x21: {  	[hbm4b:s30+s2] =	stream.linear.scatter [tilespmem:s22], [sflag:$0x1], $0x8000, $0x38;
	[tilespmem:$0x10200] =	vst v63  }
0x22: {  	_ =	swait.ge [sflag:s23], $0x8000  }
0x23: {  	[sflag:s23] =	ssyncset.done $0x0  }
0x24: {  	[sflag:s23] =	ssyncadd.s32 $0xFFFF8000  }
0x25: {  	_ =	swait.ge [sflag:s23], $0x8000  }
0x26: {  	[sflag:s23] =	ssyncset.done $0x0  }
0x27: {  	s31 =	simm.s32 $0x0;
	[sflag:s23] =	ssyncadd.s32 $0xFFFF8000  }
.LBB2_12:
0x28: {  	s4 =	rddreg [dreg:$0xa]  }
0x29: {  	s2 =	rddreg [dreg:$0x9];
	s4 =	sadd.s32 $0x1, s4  }
0x2a: {  	p0 =	sne.s32 s4, s2  }
.Ltmp1:
0x2b: {  	_ = 	snop;
	(pc) =	sbr.rel @!p0 .LBB2_13-.Ltmp1, $1  }
0x2c: {  	_ =	sdelay $0x3  }
.LBB2_1:
0x2d: {  	[dreg:$0xa] =	wrdreg s4  }
0x2e: {  	s2 =	rddreg [dreg:$0x4];
	s29 =	simm.s32 $0x80  }
0x2f: {  	[tilespmem:s29], [sflag:$0x2] =	stream.linear.gather [hbm4b:s2+s31], $0x10, $0x38;
	[tilespmem:$0x10200] =	vst v63  }
0x30: {  	_ =	swait.ge [sflag:s20], $0x10  }
0x31: {  	[sflag:s20] =	ssyncset.done $0x0  }
0x32: {  	[sflag:s20] =	ssyncadd.s32 $0xFFFFFFF0  }
0x33: {  	v3 =	vld [tilespmem:$0x80];
	_ =	sdelay $0x4  }
0x34: {  	(v2sf) =	vpush v3, $0x0;
	_ =	sdelay $0xe  }
0x35: {  	s30 =	spop (v2sf)  }
0x36: {  	p0 =	sgt.s32 s30, $0x0  }
.Ltmp2:
0x37: {  	_ = 	snop;
	(pc) =	sbr.rel @!p0 .LBB2_2-.Ltmp2, $2  }
0x38: {  	_ =	sdelay $0x2  }
0x39: {  	p1 =	por $0x1, $0x1;
	s2 =	simm.s32 $0x0  }
.LBB2_3:
0x3a: {  	s4 =	sor.u32 s10, s2  }
0x3b: {  	s28 =	rddreg [dreg:$0x1];
	s5 =	sshrl.u32 s4, $0x3  }
0x3c: {  	s2 =	simm.s32 $0x0;
	s24 =	sadd.s32 s28, s5  }
0x3d: {  	[tilespmem:s2], [sflag:$0x2] =	stream.linear.gather [hbm4b:s24+s2], $0x20, $0x38;
	[tilespmem:$0x10200] =	vst v63  }
0x3e: {  	_ =	swait.ge [sflag:s20], $0x20  }
0x3f: {  	[sflag:s20] =	ssyncset.done $0x0  }
0x40: {  	s25 =	simm.s32 $0x100;
	s29 =	sadd.s32 s6, s5;
	[sflag:s20] =	ssyncadd.s32 $0xFFFFFFE0  }
0x41: {  	[tilespmem:s25], [sflag:$0x2] =	stream.linear.gather [hbm4b:s29+s2], $0x20, $0x38;
	[tilespmem:$0x10200] =	vst v63  }
0x42: {  	_ =	swait.ge [sflag:s20], $0x20  }
0x43: {  	[sflag:s20] =	ssyncset.done $0x0  }
0x44: {  	s30 =	simm.s32 $0x180;
	s5 =	sadd.s32 s7, s5;
	[sflag:s20] =	ssyncadd.s32 $0xFFFFFFE0  }
0x45: {  	[tilespmem:s30], [sflag:$0x2] =	stream.linear.gather [hbm4b:s5+s2], $0x20, $0x38;
	[tilespmem:$0x10200] =	vst v63  }
0x46: {  	_ =	swait.ge [sflag:s20], $0x20  }
0x47: {  	[sflag:s20] =	ssyncset.done $0x0  }
0x48: {  	[sflag:s20] =	ssyncadd.s32 $0xFFFFFFE0  }
0x49: {  	s4 =	sshll.u32 s4, $0x7;
	s24 =	rddreg [dreg:$0x0]  }
0x4a: {  	s5 =	sadd.s32 s24, s4  }
0x4b: {  	[tilespmem:s21], [sflag:$0x2] =	stream.linear.gather [hbm4b:s5+s2], $0x8000, $0x38;
	[tilespmem:$0x10200] =	vst v63  }
0x4c: {  	_ =	swait.ge [sflag:s20], $0x8000  }
0x4d: {  	[sflag:s20] =	ssyncset.done $0x0  }
0x4e: {  	[sflag:s20] =	ssyncadd.s32 $0xFFFF8000  }
0x4f: {  	v3 =	vld [tilespmem:$0x0];
	_ =	sdelay $0x4  }
0x50: {  	v4 =	vshll.u32 v3, $0x3  }
0x51: {  	v3 =	vand.u32 $0x7, v3;
	v4 =	vand.u32 $0xFFFFFFC0, v4  }
0x52: {  	v3 =	vor.u32 v3, v4  }
0x53: {  	v4 =	vperm.xlane v3, v0;
	_ =	sdelay $0x1  }
0x54: {  	v4 =	vadd.s32 v1, v4;
	_ =	sdelay $0x4  }
0x55: {  	[tilespmem:s22], [sflag:$0x1] =	stream.indirect_vreg.gather [hbm4b:s8+s2], $0x80, v4, vm0, $0xb8;
	[tilespmem:$0x10200] =	vst v63  }
0x56: {  	s25 =	simm.s32 $0x8A00;
	v3 =	vperm.xlane v3, v2  }
0x57: {  	[tilespmem:s25], [sflag:$0x1] =	stream.indirect_vreg.gather [hbm4b:s11+s2], $0x80, v4, vm0, $0xb8;
	[tilespmem:$0x10200] =	vst v63  }
0x58: {  	s26 =	simm.s32 $0x9200;
	v3 =	vadd.s32 v1, v3  }
0x59: {  	[tilespmem:s26], [sflag:$0x1] =	stream.indirect_vreg.gather [hbm4b:s12+s2], $0x80, v4, vm0, $0xb8;
	[tilespmem:$0x10200] =	vst v63  }
0x5a: {  	s28 =	simm.s32 $0x9A00  }
0x5b: {  	[tilespmem:s28], [sflag:$0x1] =	stream.indirect_vreg.gather [hbm4b:s13+s2], $0x80, v4, vm0, $0xb8;
	[tilespmem:$0x10200] =	vst v63  }
0x5c: {  	s29 =	simm.s32 $0xA200  }
0x5d: {  	[tilespmem:s29], [sflag:$0x1] =	stream.indirect_vreg.gather [hbm4b:s8+s2], $0x80, v3, vm0, $0xb8;
	[tilespmem:$0x10200] =	vst v63  }
0x5e: {  	s30 =	simm.s32 $0xAA00  }
0x5f: {  	[tilespmem:s30], [sflag:$0x1] =	stream.indirect_vreg.gather [hbm4b:s11+s2], $0x80, v3, vm0, $0xb8;
	[tilespmem:$0x10200] =	vst v63  }
0x60: {  	_ = 	snop  }
0x61: {  	[tilespmem:s0], [sflag:$0x1] =	stream.indirect_vreg.gather [hbm4b:s12+s2], $0x80, v3, vm0, $0xb8;
	[tilespmem:$0x10200] =	vst v63  }
0x62: {  	_ = 	snop  }
0x63: {  	[tilespmem:s3], [sflag:$0x1] =	stream.indirect_vreg.gather [hbm4b:s13+s2], $0x80, v3, vm0, $0xb8;
	[tilespmem:$0x10200] =	vst v63  }
0x64: {  	v3 =	vld [tilespmem:$0x10];
	_ =	sdelay $0x4  }
0x65: {  	v4 =	vshll.u32 v3, $0x3  }
0x66: {  	v3 =	vand.u32 $0x7, v3;
	v4 =	vand.u32 $0xFFFFFFC0, v4  }
0x67: {  	v3 =	vor.u32 v3, v4  }
0x68: {  	v4 =	vperm.xlane v3, v0;
	_ =	sdelay $0x1  }
0x69: {  	v4 =	vadd.s32 v1, v4;
	_ =	sdelay $0x4  }
0x6a: {  	[tilespmem:s14], [sflag:$0x1] =	stream.indirect_vreg.gather [hbm4b:s8+s2], $0x80, v4, vm0, $0xb8;
	[tilespmem:$0x10200] =	vst v63  }
0x6b: {  	v3 =	vperm.xlane v3, v2  }
0x6c: {  	[tilespmem:s15], [sflag:$0x1] =	stream.indirect_vreg.gather [hbm4b:s11+s2], $0x80, v4, vm0, $0xb8;
	[tilespmem:$0x10200] =	vst v63  }
0x6d: {  	v3 =	vadd.s32 v1, v3  }
0x6e: {  	[tilespmem:s16], [sflag:$0x1] =	stream.indirect_vreg.gather [hbm4b:s12+s2], $0x80, v4, vm0, $0xb8;
	[tilespmem:$0x10200] =	vst v63  }
0x6f: {  	_ = 	snop  }
0x70: {  	[tilespmem:s17], [sflag:$0x1] =	stream.indirect_vreg.gather [hbm4b:s13+s2], $0x80, v4, vm0, $0xb8;
	[tilespmem:$0x10200] =	vst v63  }
0x71: {  	_ = 	snop  }
0x72: {  	[tilespmem:s19], [sflag:$0x1] =	stream.indirect_vreg.gather [hbm4b:s8+s2], $0x80, v3, vm0, $0xb8;
	[tilespmem:$0x10200] =	vst v63  }
0x73: {  	_ = 	snop  }
0x74: {  	[tilespmem:s9], [sflag:$0x1] =	stream.indirect_vreg.gather [hbm4b:s11+s2], $0x80, v3, vm0, $0xb8;
	[tilespmem:$0x10200] =	vst v63  }
0x75: {  	_ = 	snop  }
0x76: {  	[tilespmem:s18], [sflag:$0x1] =	stream.indirect_vreg.gather [hbm4b:s12+s2], $0x80, v3, vm0, $0xb8;
	[tilespmem:$0x10200] =	vst v63  }
0x77: {  	_ = 	snop  }
0x78: {  	[tilespmem:s1], [sflag:$0x1] =	stream.indirect_vreg.gather [hbm4b:s13+s2], $0x80, v3, vm0, $0xb8;
	[tilespmem:$0x10200] =	vst v63  }
0x79: {  	_ =	swait.ge [sflag:s23], $0x8000  }
0x7a: {  	[sflag:s23] =	ssyncset.done $0x0  }
0x7b: {  	[sflag:s23] =	ssyncadd.s32 $0xFFFF8000  }
0x7c: {  	v3 =	vld [tilespmem:$0x100]  }
0x7d: {  	p0 =	por p1, p1;
	s24 =	simm.s32 $0x0;
	v4 =	vld [tilespmem:$0x180]  }
.LBB2_4:
0x7e: {  	s5 =	sshll.u32 s24, $0xA;
	s25 =	sshll.u32 s24, $0x7  }
0x7f: {  	s5 =	sand.u32 $0x6000, s5;
	s25 =	sand.u32 $0x380, s25  }
0x80: {  	s25 =	sor.u32 s25, s5;
	s5 =	sand.u32 $0x1C00, s2  }
0x81: {  	s26 =	sand.u32 $0x70, s2;
	s5 =	sor.u32 s5, s25  }
0x82: {  	s26 =	sor.u32 s26, s5  }
0x83: {  	v5 =	vmov s24;
	v7 =	vld [tilespmem:s26+$0x8200]  }
0x84: {  	v5 =	vand.u32 $0xF, v5;
	v8 =	vld [tilespmem:s26+$0x200]  }
0x85: {  	v6 =	vbroadcast v5, $0x0;
	_ =	sdelay $0x1  }
0x86: {  	v5 =	vperm.xlane v3, v6;
	v6 =	vperm.xlane v4, v6;
	_ =	sdelay $0x1  }
0x87: {  	s28 =	simm.s32 $0x80;
	v8 =	vmul.f32 v8, v5;
	v7 =	vmul.f32 v7, v6  }
0x88: {  	s29 =	sand.u32 $0x1C00, s28;
	s5 =	simm.s32 $0x10  }
0x89: {  	s30 =	sor.u32 s29, s25;
	s29 =	simm.s32 $0x20;
	s5 =	sand.u32 $0x70, s5;
	v7 =	vadd.f32 v7, v8  }
.LBB2_5:
0x8a: {  	p1 =	sne.s32 s29, $0x3F0;
	s5 =	sor.u32 s5, s30  }
0x8b: {  	v8 =	vld [tilespmem:s5+$0x8200];
	[tilespmem:s26+$0x200] =	vst v7;
	s26 =	smov.u32 s5  }
0x8c: {  	v7 =	vld [tilespmem:s26+$0x200];
	_ =	sdelay $0x2  }
.Ltmp3:
0x8d: {  	(pc) =	sbr.rel @p1 .LBB2_5-.Ltmp3, $4  }
0x8e: {  	_ = 	snop  }
0x8f: {  	s28 =	sadd.s32 $0x80, s28;
	v8 =	vmul.f32 v8, v6;
	v7 =	vmul.f32 v7, v5  }
0x90: {  	s30 =	sand.u32 $0x1C00, s28  }
0x91: {  	s5 =	sand.u32 $0x70, s29;
	s29 =	sadd.s32 $0x10, s29;
	s30 =	sor.u32 s30, s25;
	v7 =	vadd.f32 v8, v7  }
0x92: {  	s5 =	sor.u32 s5, s30  }
0x93: {  	v8 =	vld [tilespmem:s5+$0x8200];
	[tilespmem:s26+$0x200] =	vst v7  }
0x94: {  	v7 =	vld [tilespmem:s5+$0x200];
	_ =	sdelay $0x2  }
0x95: {  	s24 =	sadd.s32 $0x1, s24  }
0x96: {  	p1 =	sne.s32 s24, $0x10  }
.Ltmp4:
0x97: {  	v6 =	vmul.f32 v8, v6;
	v5 =	vmul.f32 v7, v5;
	(pc) =	sbr.rel @p1 .LBB2_4-.Ltmp4, $3  }
0x98: {  	_ = 	snop  }
0x99: {  	v5 =	vadd.f32 v6, v5;
	_ =	sdelay $0x1  }
0x9a: {  	[tilespmem:s5+$0x200] =	vst v5  }
0x9b: {  	v3 =	vld [tilespmem:$0x110]  }
0x9c: {  	s2 =	simm.s32 $0x0;
	v4 =	vld [tilespmem:$0x190];
	s24 =	simm.s32 $0x0  }
.LBB2_8:
0x9d: {  	s5 =	sshll.u32 s24, $0xA;
	s25 =	sshll.u32 s24, $0x7  }
0x9e: {  	s5 =	sand.u32 $0x6000, s5;
	s25 =	sand.u32 $0x380, s25  }
0x9f: {  	s25 =	sor.u32 s25, s5;
	s5 =	sand.u32 $0x1C00, s2  }
0xa0: {  	s26 =	sand.u32 $0x70, s2;
	s5 =	sor.u32 s5, s25  }
0xa1: {  	s5 =	sor.u32 s26, s5  }
0xa2: {  	s26 =	sxor.u32 $0x4000, s5  }
0xa3: {  	v5 =	vmov s24;
	v8 =	vld [tilespmem:s26+$0x8200]  }
0xa4: {  	v5 =	vand.u32 $0xF, v5;
	v7 =	vld [tilespmem:s26+$0x200]  }
0xa5: {  	v6 =	vbroadcast v5, $0x0;
	_ =	sdelay $0x1  }
0xa6: {  	v5 =	vperm.xlane v3, v6;
	v6 =	vperm.xlane v4, v6  }
0xa7: {  	s28 =	simm.s32 $0x80  }
0xa8: {  	s29 =	sand.u32 $0x1C00, s28;
	s5 =	simm.s32 $0x10;
	v7 =	vmul.f32 v7, v5;
	v8 =	vmul.f32 v8, v6  }
0xa9: {  	s30 =	sor.u32 s29, s25;
	s29 =	simm.s32 $0x20;
	s5 =	sand.u32 $0x70, s5  }
.LBB2_9:
0xaa: {  	p1 =	sne.s32 s29, $0x3F0;
	s5 =	sor.u32 s5, s30;
	v7 =	vadd.f32 v8, v7  }
0xab: {  	s5 =	sxor.u32 $0x4000, s5  }
0xac: {  	v8 =	vld [tilespmem:s5+$0x8200];
	[tilespmem:s26+$0x200] =	vst v7;
	s26 =	smov.u32 s5  }
0xad: {  	v7 =	vld [tilespmem:s26+$0x200];
	_ =	sdelay $0x1  }
.Ltmp5:
0xae: {  	(pc) =	sbr.rel @p1 .LBB2_9-.Ltmp5, $4  }
0xaf: {  	_ = 	snop  }
0xb0: {  	s28 =	sadd.s32 $0x80, s28  }
0xb1: {  	s30 =	sand.u32 $0x1C00, s28;
	v8 =	vmul.f32 v8, v6;
	v7 =	vmul.f32 v7, v5  }
0xb2: {  	s5 =	sand.u32 $0x70, s29;
	s30 =	sor.u32 s30, s25;
	s29 =	sadd.s32 $0x10, s29  }
0xb3: {  	s5 =	sor.u32 s5, s30;
	v7 =	vadd.f32 v8, v7  }
0xb4: {  	s5 =	sxor.u32 $0x4000, s5  }
0xb5: {  	v63 =	vld [tilespmem:s5+$0x8200];
	[tilespmem:s26+$0x200] =	vst v7  }
0xb6: {  	v7 =	vld [tilespmem:s5+$0x200];
	_ =	sdelay $0x2  }
0xb7: {  	s24 =	sadd.s32 $0x1, s24  }
0xb8: {  	p1 =	sne.s32 s24, $0x10  }
.Ltmp6:
0xb9: {  	v6 =	vmul.f32 v63, v6;
	v5 =	vmul.f32 v7, v5;
	(pc) =	sbr.rel @p1 .LBB2_8-.Ltmp6, $3  }
0xba: {  	_ = 	snop  }
0xbb: {  	v5 =	vadd.f32 v6, v5;
	_ =	sdelay $0x1  }
0xbc: {  	[tilespmem:s5+$0x200] =	vst v5  }
0xbd: {  	s2 =	rddreg [dreg:$0x2]  }
0xbe: {  	s2 =	sadd.s32 s2, s4  }
0xbf: {  	[hbm4b:s2+s31] =	stream.linear.scatter [tilespmem:s21], [sflag:$0x2], $0x8000, $0x38;
	[tilespmem:$0x10200] =	vst v63  }
.Ltmp7:
0xc0: {  	_ = 	snop;
	(pc) =	sbr.rel @p0 .LBB2_3-.Ltmp7, $4  }
.Ltmp8:
0xc1: {  	_ = 	snop;
	(pc) =	sbr.rel @!p0 .LBB2_12-.Ltmp8, $4  }
0xc2: {  	_ =	swait.ge [sflag:s20], $0x8000  }
0xc3: {  	[sflag:s20] =	ssyncset.done $0x0  }
0xc4: {  	p1 =	por $0x0, $0x0;
	s2 =	simm.s32 $0x20;
	[sflag:s20] =	ssyncadd.s32 $0xFFFF8000  }
0xc5: {  	_ = 	snop  }
.LBB2_13:
0xc6: {  	_ =	sfence.sel $0x180000  }
0xc7: {  	[bflag:$0x0] =	sbarrier.arrive $0xFFFF  }
0xc8: {  	_ =	strace $0x9000004A  }
0xc9: {  	s0 =	stileid.u32;
	[bflag:$0x2] =	sbarrier.arrive $0xFFFF  }
0xca: {  	p0 =	sne.s32 s0, $0x0;
	s0 =	rddreg [dreg:$0x3]  }
0xcb: {  	s0 =	sadd.s32 @!p0 $0x100000, s0  }
0xcc: {  	[sflag:s0] =	ssyncadd.tile.s32 @!p0 $0x1;
	_ =	shalt  }
.Lfunc_end2:
_tile_overlayer_lowered:
.L_overlay_start_2:
0xcd: {  	(tag) =	ssettag $0x2  }
0xce: {  	s0 =	rddreg [dreg:$0x0];
	s2 =	stileid.u32  }
0xcf: {  	s1 =	rddreg [dreg:$0x1];
	p0 =	sne.s32 s2, $0x0  }
0xd0: {  	s3 =	rddreg [dreg:$0x2];
	[bflag:$0x3] =	sbarrier.arrive $0xFFFF;
	s2 =	simm.s32 @!p0 $0x1C02  }
0xd1: {  	[timem:s3], [sflag:s2] =	dma.local @!p0 [hbm:s0], s1  }
0xd2: {  	s0 =	simm.s32 @!p0 $0x2  }
0xd3: {  	_ =	swait.ge @!p0 [sflag:s0], s1  }
0xd4: {  	s1 =	ssub.s32 @!p0 $0x0, s1;
	[sflag:s0] =	ssyncset.done @!p0 $0x0  }
0xd5: {  	[sflag:s0] =	ssyncadd.s32 @!p0 s1  }
0xd6: {  	[bflag:$0x3] =	sbarrier.arrive $0xFFFF  }
0xd7: {  	_ =	shalt  }

</sc_bundles>
